<compile_context>
chip_gen: v7x
topology: tpu7x:2x2x1
jax: 0.10.2.dev20260603
libtpu: 0.0.44.dev20260713+nightly
codegen_flags: <defaults>
</compile_context>

<pallas_src>
import functools

import jax
import jax.numpy as jnp
from jax import lax
from jax.experimental import pallas as pl
from jax.experimental.pallas import tpu as pltpu
from jax.experimental.pallas import tpu_sc as plsc

_HARD = 0.9
_SOFT = 0.02
_K = 5


def _sc_tail(logits, labels, *, B, VTC0, VSC, CH):
    L = 16
    GROUP = 16
    NCHUNK = VSC // CH
    UNROLL = 8
    NIT = CH // (L * UNROLL)
    info = plsc.get_sparse_core_info()
    NC, NS = info.num_cores, info.num_subcores
    NW = NC * NS
    RPW = B // NW
    NGRP = RPW // GROUP
    NQ = NGRP * NCHUNK

    mesh = plsc.VectorSubcoreMesh(core_axis_name="c", subcore_axis_name="s")

    @functools.partial(
        pl.kernel, mesh=mesh,
        compiler_params=pltpu.CompilerParams(use_tc_tiling_on_sc=True),
        out_type=(jax.ShapeDtypeStruct((B, L), jnp.float32),
                  jax.ShapeDtypeStruct((B, L), jnp.float32),
                  jax.ShapeDtypeStruct((B, L), jnp.float32)),
        scratch_types=[
            pltpu.VMEM((GROUP, CH), jnp.float32),
            pltpu.VMEM((GROUP, CH), jnp.float32),
            pltpu.VMEM((RPW, L), jnp.float32),
            pltpu.VMEM((RPW, L), jnp.float32),
            pltpu.VMEM((RPW, L), jnp.float32),
            pltpu.VMEM((RPW + L,), jnp.int32),
            pltpu.SemaphoreType.DMA,
            pltpu.SemaphoreType.DMA,
        ],
    )
    def k(logits_hbm, labels_hbm, m_hbm, s_hbm, lab_hbm, buf0, buf1,
          stage_m, stage_s, stage_l, lbuf, sem0, sem1):
        wid = lax.axis_index("s") * NC + lax.axis_index("c")
        row0 = wid * RPW
        lane = lax.broadcasted_iota(jnp.int32, (L,), 0)
        bufs = (buf0, buf1)
        sems = (sem0, sem1)

        def src(q):
            return logits_hbm.at[pl.ds(row0 + (q // NCHUNK) * GROUP, GROUP),
                                 pl.ds((q % NCHUNK) * CH, CH)]

        pltpu.sync_copy(labels_hbm.at[pl.ds(row0, RPW)],
                        lbuf.at[pl.ds(0, RPW)])
        pltpu.async_copy(src(0), buf0, sem0)
        pltpu.async_copy(src(1), buf1, sem1)

        def init_body(r, carry):
            stage_m[r, :] = jnp.full((L,), -jnp.inf, jnp.float32)
            stage_s[r, :] = jnp.zeros((L,), jnp.float32)
            stage_l[r, :] = jnp.zeros((L,), jnp.float32)
            return carry

        lax.fori_loop(0, RPW, init_body, 0)

        def do_chunk(buf, q):
            g = q // NCHUNK
            c = q % NCHUNK
            col0 = VTC0 + c * CH

            def row_body(rr, carry, buf=buf):
                r = g * GROUP + rr
                m16 = stage_m[r, :]
                s16 = stage_s[r, :]
                lab16 = stage_l[r, :]

                def max_body(i, mloc, buf=buf, rr=rr):
                    for u in range(UNROLL):
                        mloc = jnp.maximum(
                            mloc, buf[rr, pl.ds(i * (UNROLL * L) + u * L, L)])
                    return mloc
                mloc = lax.fori_loop(0, NIT, max_body,
                                     jnp.full((L,), -jnp.inf, jnp.float32))
                m16n = jnp.maximum(m16, mloc)
                s16 = s16 * jnp.exp(m16 - m16n)

                def exp_body(i, s16, buf=buf, rr=rr, m16n=m16n):
                    for u in range(UNROLL):
                        s16 = s16 + jnp.exp(
                            buf[rr, pl.ds(i * (UNROLL * L) + u * L, L)] - m16n)
                    return s16
                s16 = lax.fori_loop(0, NIT, exp_body, s16)

                lab = lbuf[pl.ds(r, L)][0]
                off = lab - col0
                sel = (off >= 0) & (off < CH)
                a = jnp.minimum(jnp.maximum(off, 0) // L * L, CH - L)
                chunk = buf[rr, pl.ds(a, L)]
                target = jnp.where(sel, off - a, -1)
                lab16 = jnp.where(lane == target, chunk, lab16)

                stage_m[r, :] = m16n
                stage_s[r, :] = s16
                stage_l[r, :] = lab16
                return carry

            lax.fori_loop(0, GROUP, row_body, 0)

        def pair_body(p, carry):
            q0 = p * 2
            pltpu.make_async_copy(src(q0), buf0, sem0).wait()
            do_chunk(buf0, q0)

            @pl.when(q0 + 2 < NQ)
            def _():
                pltpu.async_copy(src(q0 + 2), buf0, sem0)

            pltpu.make_async_copy(src(q0 + 1), buf1, sem1).wait()
            do_chunk(buf1, q0 + 1)

            @pl.when(q0 + 3 < NQ)
            def _():
                pltpu.async_copy(src(q0 + 3), buf1, sem1)
            return carry

        lax.fori_loop(0, NQ // 2, pair_body, 0)

        pltpu.sync_copy(stage_m, m_hbm.at[pl.ds(row0, RPW)])
        pltpu.sync_copy(stage_s, s_hbm.at[pl.ds(row0, RPW)])
        pltpu.sync_copy(stage_l, lab_hbm.at[pl.ds(row0, RPW)])

    return k(logits, labels)


def _tc_main_body(labels_ref, x_ref, out_ref, m_ref, s_ref, lab_ref, t5_ref,
                  *, V, RAG, NV):
    j = pl.program_id(1)
    Rb = x_ref.shape[0]

    @pl.when(j == 0)
    def _init():
        m_ref[...] = jnp.full_like(m_ref, -jnp.inf)
        s_ref[...] = jnp.zeros_like(s_ref)
        lab_ref[...] = jnp.zeros_like(lab_ref)
        t5_ref[...] = jnp.full_like(t5_ref, -jnp.inf)

    x = x_ref[...]
    Vb = x.shape[1]
    jm = jnp.where(j == NV - 1, RAG, j)
    cols = lax.broadcasted_iota(jnp.int32, x.shape, 1) + jm * Vb
    x = lax.cond(j == NV - 1,
                 lambda v: jnp.where(cols < V, v, -jnp.inf),
                 lambda v: v, x)

    bmax = jnp.max(x, axis=1, keepdims=True)
    m_old = m_ref[...]
    m_new = jnp.maximum(m_old, bmax)
    e = jnp.exp(x - m_new)
    s_ref[...] = s_ref[...] * jnp.exp(m_old - m_new) + jnp.sum(
        e, axis=1, keepdims=True)
    m_ref[...] = m_new

    hit = cols == labels_ref[...]
    lab_ref[...] = lab_ref[...] + jnp.sum(jnp.where(hit, x, 0.0), axis=1,
                                          keepdims=True)

    y = x
    w = Vb
    while w > 128:
        w //= 2
        y = jnp.maximum(y[:, :w], y[:, w:2 * w])
    vals = []
    for _ in range(_K):
        v = jnp.max(y, axis=1, keepdims=True)
        vals.append(v)
        y = jnp.where(y >= v, -jnp.inf, y)
    z = jnp.concatenate(vals + [t5_ref[...]], axis=1)
    vals2 = []
    for _ in range(_K):
        v = jnp.max(z, axis=1, keepdims=True)
        vals2.append(v)
        z = jnp.where(z >= v, -jnp.inf, z)
    t5_new = jnp.concatenate(
        vals2 + [jnp.full((Rb, 8 - _K), -jnp.inf, x.dtype)], axis=1)
    t5_ref[...] = t5_new

    @pl.when(j == NV - 1)
    def _finish():
        out_ref[...] = jnp.concatenate(
            [m_new, s_ref[...], t5_new[:, :_K], lab_ref[...]], axis=1)


def _tc_main(logits, labels2, *, VTC0, Rb, Vb):
    B, V = logits.shape
    NFULL = VTC0 // Vb
    RAG = (V - 1) // Vb
    NV = NFULL + 1
    body = functools.partial(_tc_main_body, V=V, RAG=RAG, NV=NV)
    return pl.pallas_call(
        body,
        grid=(B // Rb, NV),
        in_specs=[pl.BlockSpec((Rb, 1), lambda i, j: (i, 0)),
                  pl.BlockSpec((Rb, Vb),
                               lambda i, j: (i, jnp.where(j == NFULL, RAG, j)))],
        out_specs=pl.BlockSpec((Rb, 8), lambda i, j: (i, 0)),
        out_shape=jax.ShapeDtypeStruct((B, 8), jnp.float32),
        scratch_shapes=[pltpu.VMEM((Rb, 1), jnp.float32),
                        pltpu.VMEM((Rb, 1), jnp.float32),
                        pltpu.VMEM((Rb, 1), jnp.float32),
                        pltpu.VMEM((Rb, 8), jnp.float32)],
        compiler_params=pltpu.CompilerParams(
            dimension_semantics=("parallel", "arbitrary")),
    )(labels2, logits)


def _merge_body(tc_ref, m16_ref, s16_ref, lab16_ref, out_ref):
    tc = tc_ref[...]
    m16 = m16_ref[...]
    s16 = s16_ref[...]
    m_tc, s_tc = tc[:, 0:1], tc[:, 1:2]
    labv = tc[:, 7:8] + jnp.sum(lab16_ref[...], axis=1, keepdims=True)
    m_sc = jnp.max(m16, axis=1, keepdims=True)
    s_sc = jnp.sum(s16 * jnp.exp(m16 - m_sc), axis=1, keepdims=True)
    m = jnp.maximum(m_tc, m_sc)
    s = s_tc * jnp.exp(m_tc - m) + s_sc * jnp.exp(m_sc - m)
    lse = m + jnp.log(s)
    z = jnp.concatenate([tc[:, 2:7], m16], axis=1)
    sum5 = jnp.zeros_like(m)
    for _ in range(_K):
        v = jnp.max(z, axis=1, keepdims=True)
        sum5 = sum5 + v
        z = jnp.where(z >= v, -jnp.inf, z)
    out_ref[...] = lse - _HARD * labv - _SOFT * sum5


def _merge(tc_out, m_sc, s_sc, lab_sc):
    B = tc_out.shape[0]
    Rb = 256
    out = pl.pallas_call(
        _merge_body,
        grid=(B // Rb,),
        in_specs=[pl.BlockSpec((Rb, 8), lambda i: (i, 0)),
                  pl.BlockSpec((Rb, 16), lambda i: (i, 0)),
                  pl.BlockSpec((Rb, 16), lambda i: (i, 0)),
                  pl.BlockSpec((Rb, 16), lambda i: (i, 0))],
        out_specs=pl.BlockSpec((Rb, 1), lambda i: (i, 0)),
        out_shape=jax.ShapeDtypeStruct((B, 1), jnp.float32),
    )(tc_out, m_sc, s_sc, lab_sc)
    return out.reshape(B)


def kernel(logits, labels):
    B, V = logits.shape
    Vb = 8192
    VTC0 = 9 * Vb
    VSC = 24576
    CH = 2048
    Rb = 128
    labels_i = labels.astype(jnp.int32)
    sc_slice = jax.lax.slice(logits, (0, VTC0), (B, VTC0 + VSC))
    m_sc, s_sc, lab_sc = _sc_tail(sc_slice, labels_i, B=B, VTC0=VTC0, VSC=VSC,
                                  CH=CH)
    tc_out = _tc_main(logits, labels_i.reshape(B, 1), VTC0=VTC0, Rb=Rb, Vb=Vb)
    return _merge(tc_out, m_sc, s_sc, lab_sc)

# --- scband reference (transcript-rebuilt; emitter-appended) ---
"""Pipeline reference for scband-top-ksmoothing-loss-12652973654650 (READ-ONLY COPY).

The authoritative reference and input builder live on the scoring server;
editing this copy changes nothing except your own understanding.
"""

import jax, jax.numpy as jnp
import numpy as np

K = 5
LABEL_SMOOTHING = 0.1
B = 4096
V = 100000


def setup_inputs(seed: int = 0) -> dict:
    key = jax.random.key(seed)
    k1, k2 = jax.random.split(key)
    logits = jax.random.normal(k1, (B, V), dtype=jnp.float32)
    labels = jax.random.randint(k2, (B,), 0, V, dtype=jnp.int32)
    return {"logits": logits, "labels": labels}


def reference(logits, labels):
    num_classes = logits.shape[-1]
    k = min(K, num_classes)
    log_probs = jax.nn.log_softmax(logits, axis=-1)
    # top-k indices over the class dimension
    _, topk_idx = jax.lax.top_k(logits, k)
    # build soft targets: zeros everywhere, 1/k at top-k positions (scatter-overwrite)
    targets = jnp.zeros_like(logits)
    rows = jnp.arange(logits.shape[0])[:, None]
    targets = targets.at[rows, topk_idx].set(jnp.asarray(1.0 / k, dtype=logits.dtype))
    # hard CE with reduction='none'
    hard_loss = -jnp.take_along_axis(log_probs, labels[:, None].astype(jnp.int32), axis=-1)[:, 0] * (1.0 - LABEL_SMOOTHING)
    # soft cross entropy against top-k uniform targets
    soft_loss = -(targets * log_probs).sum(axis=-1) * LABEL_SMOOTHING
    return hard_loss + soft_loss

if __name__ == "__main__":
    import jax
    _d = setup_inputs()
    print(jax.jit(kernel)(*tuple(_d.values())))

</pallas_src>

<mosaic_0001>
#map = affine_map<(d0, d1) -> (0, 0)>
#map1 = affine_map<(d0, d1) -> (0)>
module attributes {stable_mosaic.version = 14 : i64} {
  func.func @k(%arg0: i32, %arg1: i32, %arg2: memref<4096x24576xf32, #tpu.memory_space<hbm>>, %arg3: memref<4096xi32, #tpu.memory_space<hbm>>, %arg4: memref<4096x16xf32, #tpu.memory_space<hbm>>, %arg5: memref<4096x16xf32, #tpu.memory_space<hbm>>, %arg6: memref<4096x16xf32, #tpu.memory_space<hbm>>, %arg7: memref<16x2048xf32, #tpu.memory_space<vmem>>, %arg8: memref<16x2048xf32, #tpu.memory_space<vmem>>, %arg9: memref<128x16xf32, #tpu.memory_space<vmem>>, %arg10: memref<128x16xf32, #tpu.memory_space<vmem>>, %arg11: memref<128x16xf32, #tpu.memory_space<vmem>>, %arg12: memref<144xi32, #tpu.memory_space<vmem>>, %arg13: memref<!tpu.dma_semaphore, #tpu.memory_space<semaphore_mem>>, %arg14: memref<!tpu.dma_semaphore, #tpu.memory_space<semaphore_mem>>) attributes {dimension_semantics = [#tpu.dimension_semantics<core_parallel>, #tpu.dimension_semantics<subcore_parallel>], iteration_bounds = array<i64: 2, 16>, scalar_prefetch = 0 : i64, scratch_operands = 8 : i64, tpu.core_type = #tpu.core_type<sc_vector_subcore>, window_params = [{transform_indices = #map}, {transform_indices = #map1}, {transform_indices = #map}, {transform_indices = #map}, {transform_indices = #map}]} {
    %mul3A = arith.constant 2 : i32
    %mul3A_0 = arith.muli %arg1, %mul3A : i32
    %add3A = arith.addi %mul3A_0, %arg0 : i32
    %mul3A_1 = arith.constant 128 : i32
    %mul3A_2 = arith.muli %add3A, %mul3A_1 : i32
    %iota3A = tpu.iota {dimensions = array<i32: 0>} : vector<16xi32>
    "tpu.region"() ({
      %run_scoped3A = tpu.sem_alloc : memref<!tpu.dma_semaphore, #tpu.memory_space<semaphore_mem>>
      %dma_start3A_25 = arith.constant 0 : i32
      %dma_start3A_26 = tpu.memref_slice %arg12[%dma_start3A_25] : memref<144xi32, #tpu.memory_space<vmem>> -> memref<128xi32, #tpu.memory_space<vmem>>
      %dma_start3A_27 = tpu.memref_slice %arg3[%mul3A_2] : memref<4096xi32, #tpu.memory_space<hbm>> -> memref<128xi32, #tpu.memory_space<hbm>>
      %dma_start3A_28 = arith.constant 0 : i32
      %dma_start3A_29 = tpu.memref_slice %arg12[%dma_start3A_28] : memref<144xi32, #tpu.memory_space<vmem>> -> memref<128xi32, #tpu.memory_space<vmem>>
      %dma_start3A_30 = tpu.memref_slice %arg3[%mul3A_2] : memref<4096xi32, #tpu.memory_space<hbm>> -> memref<128xi32, #tpu.memory_space<hbm>>
      tpu.enqueue_dma source(%dma_start3A_30 : memref<128xi32, #tpu.memory_space<hbm>>) target(%dma_start3A_29 : memref<128xi32, #tpu.memory_space<vmem>>) target_semaphore(%run_scoped3A : memref<!tpu.dma_semaphore, #tpu.memory_space<semaphore_mem>>)
      %dma_wait3A = arith.constant 0 : i32
      %dma_wait3A_31 = tpu.memref_slice %arg12[%dma_wait3A] : memref<144xi32, #tpu.memory_space<vmem>> -> memref<128xi32, #tpu.memory_space<vmem>>
      %dma_wait3A_32 = tpu.memref_slice %arg3[%mul3A_2] : memref<4096xi32, #tpu.memory_space<hbm>> -> memref<128xi32, #tpu.memory_space<hbm>>
      %dma_wait3A_33 = arith.constant 0 : i32
      %dma_wait3A_34 = tpu.memref_slice %arg12[%dma_wait3A_33] : memref<144xi32, #tpu.memory_space<vmem>> -> memref<128xi32, #tpu.memory_space<vmem>>
      %dma_wait3A_35 = tpu.memref_slice %arg3[%mul3A_2] : memref<4096xi32, #tpu.memory_space<hbm>> -> memref<128xi32, #tpu.memory_space<hbm>>
      tpu.wait_dma2 semaphore(%run_scoped3A : memref<!tpu.dma_semaphore, #tpu.memory_space<semaphore_mem>>) src(%dma_wait3A_35 : memref<128xi32, #tpu.memory_space<hbm>>) dst(%dma_wait3A_34 : memref<128xi32, #tpu.memory_space<vmem>>)
      tpu.yield
    }) : () -> ()
    %add3A_3 = arith.constant 0 : i32
    %add3A_4 = arith.addi %mul3A_2, %add3A_3 : i32
    %dma_start3A = arith.constant 0 : i32
    %dma_start3A_5 = tpu.memref_slice %arg2[%add3A_4, %dma_start3A] : memref<4096x24576xf32, #tpu.memory_space<hbm>> -> memref<16x2048xf32, #tpu.memory_space<hbm>>
    %dma_start3A_6 = arith.constant 0 : i32
    %dma_start3A_7 = tpu.memref_slice %arg2[%add3A_4, %dma_start3A_6] : memref<4096x24576xf32, #tpu.memory_space<hbm>> -> memref<16x2048xf32, #tpu.memory_space<hbm>>
    tpu.enqueue_dma source(%dma_start3A_7 : memref<16x2048xf32, #tpu.memory_space<hbm>>) target(%arg7 : memref<16x2048xf32, #tpu.memory_space<vmem>>) target_semaphore(%arg13 : memref<!tpu.dma_semaphore, #tpu.memory_space<semaphore_mem>>)
    %add3A_8 = arith.constant 0 : i32
    %add3A_9 = arith.addi %mul3A_2, %add3A_8 : i32
    %dma_start3A_10 = arith.constant 2048 : i32
    %dma_start3A_11 = tpu.memref_slice %arg2[%add3A_9, %dma_start3A_10] : memref<4096x24576xf32, #tpu.memory_space<hbm>> -> memref<16x2048xf32, #tpu.memory_space<hbm>>
    %dma_start3A_12 = arith.constant 2048 : i32
    %dma_start3A_13 = tpu.memref_slice %arg2[%add3A_9, %dma_start3A_12] : memref<4096x24576xf32, #tpu.memory_space<hbm>> -> memref<16x2048xf32, #tpu.memory_space<hbm>>
    tpu.enqueue_dma source(%dma_start3A_13 : memref<16x2048xf32, #tpu.memory_space<hbm>>) target(%arg8 : memref<16x2048xf32, #tpu.memory_space<vmem>>) target_semaphore(%arg14 : memref<!tpu.dma_semaphore, #tpu.memory_space<semaphore_mem>>)
    %scan3A = arith.constant 0 : i32
    %scan3A_14 = arith.constant 0 : i32
    %scan3A_15 = arith.constant 128 : i32
    %scan3A_16 = arith.addi %scan3A_14, %scan3A_15 : i32
    %scan3A_17 = arith.constant 1 : i32
    scf.for %scan3A_25 = %scan3A_14 to %scan3A_16 step %scan3A_17  : i32 {
      %broadcast_in_dim3A = arith.constant 0xFF800000 : f32
      %broadcast_in_dim3A_26 = vector.broadcast %broadcast_in_dim3A : f32 to vector<16xf32>
      %swap3A = arith.index_cast %scan3A_25 : i32 to index
      %swap3A_27 = arith.constant 0 : index
      %swap3A_28 = tpu.vector_load %arg9[%swap3A, %swap3A_27] {strides = array<i32>} : memref<128x16xf32, #tpu.memory_space<vmem>>, vector<1x16xf32>,
      %swap3A_29 = vector.shape_cast %swap3A_28 : vector<1x16xf32> to vector<16xf32>
      %swap3A_30 = vector.shape_cast %broadcast_in_dim3A_26 : vector<16xf32> to vector<1x16xf32>
      tpu.vector_store %arg9[%swap3A, %swap3A_27], %swap3A_30 {strides = array<i32>} : memref<128x16xf32, #tpu.memory_space<vmem>>, vector<1x16xf32>,
      %broadcast_in_dim3A_31 = arith.constant 0.000000e+00 : f32
      %broadcast_in_dim3A_32 = vector.broadcast %broadcast_in_dim3A_31 : f32 to vector<16xf32>
      %swap3A_33 = arith.index_cast %scan3A_25 : i32 to index
      %swap3A_34 = arith.constant 0 : index
      %swap3A_35 = tpu.vector_load %arg10[%swap3A_33, %swap3A_34] {strides = array<i32>} : memref<128x16xf32, #tpu.memory_space<vmem>>, vector<1x16xf32>,
      %swap3A_36 = vector.shape_cast %swap3A_35 : vector<1x16xf32> to vector<16xf32>
      %swap3A_37 = vector.shape_cast %broadcast_in_dim3A_32 : vector<16xf32> to vector<1x16xf32>
      tpu.vector_store %arg10[%swap3A_33, %swap3A_34], %swap3A_37 {strides = array<i32>} : memref<128x16xf32, #tpu.memory_space<vmem>>, vector<1x16xf32>,
      %broadcast_in_dim3A_38 = arith.constant 0.000000e+00 : f32
      %broadcast_in_dim3A_39 = vector.broadcast %broadcast_in_dim3A_38 : f32 to vector<16xf32>
      %swap3A_40 = arith.index_cast %scan3A_25 : i32 to index
      %swap3A_41 = arith.constant 0 : index
      %swap3A_42 = tpu.vector_load %arg11[%swap3A_40, %swap3A_41] {strides = array<i32>} : memref<128x16xf32, #tpu.memory_space<vmem>>, vector<1x16xf32>,
      %swap3A_43 = vector.shape_cast %swap3A_42 : vector<1x16xf32> to vector<16xf32>
      %swap3A_44 = vector.shape_cast %broadcast_in_dim3A_39 : vector<16xf32> to vector<1x16xf32>
      tpu.vector_store %arg11[%swap3A_40, %swap3A_41], %swap3A_44 {strides = array<i32>} : memref<128x16xf32, #tpu.memory_space<vmem>>, vector<1x16xf32>,
    }
    %scan3A_18 = arith.constant 128 : i32
    %scan3A_19 = arith.constant 0 : i32
    %scan3A_20 = arith.constant 0 : i32
    %scan3A_21 = arith.constant 48 : i32
    %scan3A_22 = arith.addi %scan3A_20, %scan3A_21 : i32
    %scan3A_23 = arith.constant 1 : i32
    scf.for %scan3A_25 = %scan3A_20 to %scan3A_22 step %scan3A_23  : i32 {
      %mul3A_26 = arith.constant 2 : i32
      %mul3A_27 = arith.muli %scan3A_25, %mul3A_26 : i32
      %jit3A = arith.constant 12 : i32
      %div3A = arith.divsi %mul3A_27, %jit3A : i32
      %sign3A = arith.constant 0 : i32
      %sign3A_28 = arith.cmpi sgt, %mul3A_27, %sign3A : i32
      %sign3A_29 = arith.extui %sign3A_28 : i1 to i32
      %sign3A_30 = arith.constant 0 : i32
      %sign3A_31 = arith.cmpi slt, %mul3A_27, %sign3A_30 : i32
      %sign3A_32 = arith.extui %sign3A_31 : i1 to i32
      %sign3A_33 = arith.subi %sign3A_29, %sign3A_32 : i32
      %sign3A_34 = arith.constant 0 : i32
      %sign3A_35 = arith.cmpi sgt, %jit3A, %sign3A_34 : i32
      %sign3A_36 = arith.extui %sign3A_35 : i1 to i32
      %sign3A_37 = arith.constant 0 : i32
      %sign3A_38 = arith.cmpi slt, %jit3A, %sign3A_37 : i32
      %sign3A_39 = arith.extui %sign3A_38 : i1 to i32
      %sign3A_40 = arith.subi %sign3A_36, %sign3A_39 : i32
      %ne3A = arith.cmpi ne, %sign3A_33, %sign3A_40 : i32
      %rem3A = arith.remsi %mul3A_27, %jit3A : i32
      %ne3A_41 = arith.constant 0 : i32
      %ne3A_42 = arith.cmpi ne, %rem3A, %ne3A_41 : i32
      %and3A = arith.andi %ne3A, %ne3A_42 : i1
      %sub3A = arith.constant 1 : i32
      %sub3A_43 = arith.subi %div3A, %sub3A : i32
      %select_n3A = arith.select %and3A, %sub3A_43, %div3A : i32
      %mul3A_44 = arith.constant 16 : i32
      %mul3A_45 = arith.muli %select_n3A, %mul3A_44 : i32
      %add3A_46 = arith.addi %mul3A_2, %mul3A_45 : i32
      %jit3A_47 = arith.constant 12 : i32
      %eq3A = arith.constant 0 : i32
      %eq3A_48 = arith.cmpi eq, %jit3A_47, %eq3A : i32
      %jit3A_49 = arith.constant 1 : i32
      %select_n3A_50 = arith.select %eq3A_48, %jit3A_49, %jit3A_47 : i32
      %rem3A_51 = arith.remsi %mul3A_27, %select_n3A_50 : i32
      %ne3A_52 = arith.constant 0 : i32
      %ne3A_53 = arith.cmpi ne, %rem3A_51, %ne3A_52 : i32
      %lt3A = arith.constant 0 : i32
      %lt3A_54 = arith.cmpi slt, %rem3A_51, %lt3A : i32
      %lt3A_55 = arith.constant 0 : i32
      %lt3A_56 = arith.cmpi slt, %select_n3A_50, %lt3A_55 : i32
      %ne3A_57 = arith.xori %lt3A_54, %lt3A_56 : i1
      %and3A_58 = arith.andi %ne3A_57, %ne3A_53 : i1
      %add3A_59 = arith.addi %rem3A_51, %select_n3A_50 : i32
      %select_n3A_60 = arith.select %and3A_58, %add3A_59, %rem3A_51 : i32
      %mul3A_61 = arith.constant 2048 : i32
      %mul3A_62 = arith.muli %select_n3A_60, %mul3A_61 : i32
      %dma_wait3A = tpu.memref_slice %arg2[%add3A_46, %mul3A_62] : memref<4096x24576xf32, #tpu.memory_space<hbm>> -> memref<16x2048xf32, #tpu.memory_space<hbm>>
      %dma_wait3A_63 = tpu.memref_slice %arg2[%add3A_46, %mul3A_62] : memref<4096x24576xf32, #tpu.memory_space<hbm>> -> memref<16x2048xf32, #tpu.memory_space<hbm>>
      tpu.wait_dma2 semaphore(%arg13 : memref<!tpu.dma_semaphore, #tpu.memory_space<semaphore_mem>>) src(%dma_wait3A_63 : memref<16x2048xf32, #tpu.memory_space<hbm>>) dst(%arg7 : memref<16x2048xf32, #tpu.memory_space<vmem>>)
      %jit3A_64 = arith.constant 12 : i32
      %div3A_65 = arith.divsi %mul3A_27, %jit3A_64 : i32
      %sign3A_66 = arith.constant 0 : i32
      %sign3A_67 = arith.cmpi sgt, %mul3A_27, %sign3A_66 : i32
      %sign3A_68 = arith.extui %sign3A_67 : i1 to i32
      %sign3A_69 = arith.constant 0 : i32
      %sign3A_70 = arith.cmpi slt, %mul3A_27, %sign3A_69 : i32
      %sign3A_71 = arith.extui %sign3A_70 : i1 to i32
      %sign3A_72 = arith.subi %sign3A_68, %sign3A_71 : i32
      %sign3A_73 = arith.constant 0 : i32
      %sign3A_74 = arith.cmpi sgt, %jit3A_64, %sign3A_73 : i32
      %sign3A_75 = arith.extui %sign3A_74 : i1 to i32
      %sign3A_76 = arith.constant 0 : i32
      %sign3A_77 = arith.cmpi slt, %jit3A_64, %sign3A_76 : i32
      %sign3A_78 = arith.extui %sign3A_77 : i1 to i32
      %sign3A_79 = arith.subi %sign3A_75, %sign3A_78 : i32
      %ne3A_80 = arith.cmpi ne, %sign3A_72, %sign3A_79 : i32
      %rem3A_81 = arith.remsi %mul3A_27, %jit3A_64 : i32
      %ne3A_82 = arith.constant 0 : i32
      %ne3A_83 = arith.cmpi ne, %rem3A_81, %ne3A_82 : i32
      %and3A_84 = arith.andi %ne3A_80, %ne3A_83 : i1
      %sub3A_85 = arith.constant 1 : i32
      %sub3A_86 = arith.subi %div3A_65, %sub3A_85 : i32
      %select_n3A_87 = arith.select %and3A_84, %sub3A_86, %div3A_65 : i32
      %jit3A_88 = arith.constant 12 : i32
      %eq3A_89 = arith.constant 0 : i32
      %eq3A_90 = arith.cmpi eq, %jit3A_88, %eq3A_89 : i32
      %jit3A_91 = arith.constant 1 : i32
      %select_n3A_92 = arith.select %eq3A_90, %jit3A_91, %jit3A_88 : i32
      %rem3A_93 = arith.remsi %mul3A_27, %select_n3A_92 : i32
      %ne3A_94 = arith.constant 0 : i32
      %ne3A_95 = arith.cmpi ne, %rem3A_93, %ne3A_94 : i32
      %lt3A_96 = arith.constant 0 : i32
      %lt3A_97 = arith.cmpi slt, %rem3A_93, %lt3A_96 : i32
      %lt3A_98 = arith.constant 0 : i32
      %lt3A_99 = arith.cmpi slt, %select_n3A_92, %lt3A_98 : i32
      %ne3A_100 = arith.xori %lt3A_97, %lt3A_99 : i1
      %and3A_101 = arith.andi %ne3A_100, %ne3A_95 : i1
      %add3A_102 = arith.addi %rem3A_93, %select_n3A_92 : i32
      %select_n3A_103 = arith.select %and3A_101, %add3A_102, %rem3A_93 : i32
      %mul3A_104 = arith.constant 2048 : i32
      %mul3A_105 = arith.muli %select_n3A_103, %mul3A_104 : i32
      %add3A_106 = arith.constant 73728 : i32
      %add3A_107 = arith.addi %add3A_106, %mul3A_105 : i32
      %scan3A_108 = arith.constant 0 : i32
      %scan3A_109 = arith.constant 0 : i32
      %scan3A_110 = arith.constant 16 : i32
      %scan3A_111 = arith.addi %scan3A_109, %scan3A_110 : i32
      %scan3A_112 = arith.constant 1 : i32
      scf.for %scan3A_227 = %scan3A_109 to %scan3A_111 step %scan3A_112  : i32 {
        %mul3A_228 = arith.constant 16 : i32
        %mul3A_229 = arith.muli %select_n3A_87, %mul3A_228 : i32
        %add3A_230 = arith.addi %mul3A_229, %scan3A_227 : i32
        %get3A = arith.index_cast %add3A_230 : i32 to index
        %get3A_231 = arith.constant 0 : index
        %get3A_232 = tpu.vector_load %arg9[%get3A, %get3A_231] {strides = array<i32>} : memref<128x16xf32, #tpu.memory_space<vmem>>, vector<1x16xf32>,
        %get3A_233 = vector.shape_cast %get3A_232 : vector<1x16xf32> to vector<16xf32>
        %get3A_234 = arith.index_cast %add3A_230 : i32 to index
        %get3A_235 = arith.constant 0 : index
        %get3A_236 = tpu.vector_load %arg10[%get3A_234, %get3A_235] {strides = array<i32>} : memref<128x16xf32, #tpu.memory_space<vmem>>, vector<1x16xf32>,
        %get3A_237 = vector.shape_cast %get3A_236 : vector<1x16xf32> to vector<16xf32>
        %get3A_238 = arith.index_cast %add3A_230 : i32 to index
        %get3A_239 = arith.constant 0 : index
        %get3A_240 = tpu.vector_load %arg11[%get3A_238, %get3A_239] {strides = array<i32>} : memref<128x16xf32, #tpu.memory_space<vmem>>, vector<1x16xf32>,
        %get3A_241 = vector.shape_cast %get3A_240 : vector<1x16xf32> to vector<16xf32>
        %broadcast_in_dim3A = arith.constant 0xFF800000 : f32
        %broadcast_in_dim3A_242 = vector.broadcast %broadcast_in_dim3A : f32 to vector<16xf32>
        %scan3A_243 = arith.constant 0 : i32
        %scan3A_244 = arith.constant 16 : i32
        %scan3A_245 = arith.addi %scan3A_243, %scan3A_244 : i32
        %scan3A_246 = arith.constant 1 : i32
        %scan3A_247 = scf.for %scan3A_318 = %scan3A_243 to %scan3A_245 step %scan3A_246 iter_args(%scan3A_319 = %broadcast_in_dim3A_242) -> (vector<16xf32>)  : i32 {
          %mul3A_320 = arith.constant 128 : i32
          %mul3A_321 = arith.muli %scan3A_318, %mul3A_320 : i32
          %add3A_322 = arith.constant 0 : i32
          %add3A_323 = arith.addi %mul3A_321, %add3A_322 : i32
          %get3A_324 = arith.index_cast %scan3A_227 : i32 to index
          %get3A_325 = arith.index_cast %add3A_323 : i32 to index
          %get3A_326 = tpu.vector_load %arg7[%get3A_324, %get3A_325] {strides = array<i32>} : memref<16x2048xf32, #tpu.memory_space<vmem>>, vector<1x16xf32>,
          %get3A_327 = vector.shape_cast %get3A_326 : vector<1x16xf32> to vector<16xf32>
          %max3A_328 = arith.maximumf %scan3A_319, %get3A_327 : vector<16xf32>
          %mul3A_329 = arith.constant 128 : i32
          %mul3A_330 = arith.muli %scan3A_318, %mul3A_329 : i32
          %add3A_331 = arith.constant 16 : i32
          %add3A_332 = arith.addi %mul3A_330, %add3A_331 : i32
          %get3A_333 = arith.index_cast %scan3A_227 : i32 to index
          %get3A_334 = arith.index_cast %add3A_332 : i32 to index
          %get3A_335 = tpu.vector_load %arg7[%get3A_333, %get3A_334] {strides = array<i32>} : memref<16x2048xf32, #tpu.memory_space<vmem>>, vector<1x16xf32>,
          %get3A_336 = vector.shape_cast %get3A_335 : vector<1x16xf32> to vector<16xf32>
          %max3A_337 = arith.maximumf %max3A_328, %get3A_336 : vector<16xf32>
          %mul3A_338 = arith.constant 128 : i32
          %mul3A_339 = arith.muli %scan3A_318, %mul3A_338 : i32
          %add3A_340 = arith.constant 32 : i32
          %add3A_341 = arith.addi %mul3A_339, %add3A_340 : i32
          %get3A_342 = arith.index_cast %scan3A_227 : i32 to index
          %get3A_343 = arith.index_cast %add3A_341 : i32 to index
          %get3A_344 = tpu.vector_load %arg7[%get3A_342, %get3A_343] {strides = array<i32>} : memref<16x2048xf32, #tpu.memory_space<vmem>>, vector<1x16xf32>,
          %get3A_345 = vector.shape_cast %get3A_344 : vector<1x16xf32> to vector<16xf32>
          %max3A_346 = arith.maximumf %max3A_337, %get3A_345 : vector<16xf32>
          %mul3A_347 = arith.constant 128 : i32
          %mul3A_348 = arith.muli %scan3A_318, %mul3A_347 : i32
          %add3A_349 = arith.constant 48 : i32
          %add3A_350 = arith.addi %mul3A_348, %add3A_349 : i32
          %get3A_351 = arith.index_cast %scan3A_227 : i32 to index
          %get3A_352 = arith.index_cast %add3A_350 : i32 to index
          %get3A_353 = tpu.vector_load %arg7[%get3A_351, %get3A_352] {strides = array<i32>} : memref<16x2048xf32, #tpu.memory_space<vmem>>, vector<1x16xf32>,
          %get3A_354 = vector.shape_cast %get3A_353 : vector<1x16xf32> to vector<16xf32>
          %max3A_355 = arith.maximumf %max3A_346, %get3A_354 : vector<16xf32>
          %mul3A_356 = arith.constant 128 : i32
          %mul3A_357 = arith.muli %scan3A_318, %mul3A_356 : i32
          %add3A_358 = arith.constant 64 : i32
          %add3A_359 = arith.addi %mul3A_357, %add3A_358 : i32
          %get3A_360 = arith.index_cast %scan3A_227 : i32 to index
          %get3A_361 = arith.index_cast %add3A_359 : i32 to index
          %get3A_362 = tpu.vector_load %arg7[%get3A_360, %get3A_361] {strides = array<i32>} : memref<16x2048xf32, #tpu.memory_space<vmem>>, vector<1x16xf32>,
          %get3A_363 = vector.shape_cast %get3A_362 : vector<1x16xf32> to vector<16xf32>
          %max3A_364 = arith.maximumf %max3A_355, %get3A_363 : vector<16xf32>
          %mul3A_365 = arith.constant 128 : i32
          %mul3A_366 = arith.muli %scan3A_318, %mul3A_365 : i32
          %add3A_367 = arith.constant 80 : i32
          %add3A_368 = arith.addi %mul3A_366, %add3A_367 : i32
          %get3A_369 = arith.index_cast %scan3A_227 : i32 to index
          %get3A_370 = arith.index_cast %add3A_368 : i32 to index
          %get3A_371 = tpu.vector_load %arg7[%get3A_369, %get3A_370] {strides = array<i32>} : memref<16x2048xf32, #tpu.memory_space<vmem>>, vector<1x16xf32>,
          %get3A_372 = vector.shape_cast %get3A_371 : vector<1x16xf32> to vector<16xf32>
          %max3A_373 = arith.maximumf %max3A_364, %get3A_372 : vector<16xf32>
          %mul3A_374 = arith.constant 128 : i32
          %mul3A_375 = arith.muli %scan3A_318, %mul3A_374 : i32
          %add3A_376 = arith.constant 96 : i32
          %add3A_377 = arith.addi %mul3A_375, %add3A_376 : i32
          %get3A_378 = arith.index_cast %scan3A_227 : i32 to index
          %get3A_379 = arith.index_cast %add3A_377 : i32 to index
          %get3A_380 = tpu.vector_load %arg7[%get3A_378, %get3A_379] {strides = array<i32>} : memref<16x2048xf32, #tpu.memory_space<vmem>>, vector<1x16xf32>,
          %get3A_381 = vector.shape_cast %get3A_380 : vector<1x16xf32> to vector<16xf32>
          %max3A_382 = arith.maximumf %max3A_373, %get3A_381 : vector<16xf32>
          %mul3A_383 = arith.constant 128 : i32
          %mul3A_384 = arith.muli %scan3A_318, %mul3A_383 : i32
          %add3A_385 = arith.constant 112 : i32
          %add3A_386 = arith.addi %mul3A_384, %add3A_385 : i32
          %get3A_387 = arith.index_cast %scan3A_227 : i32 to index
          %get3A_388 = arith.index_cast %add3A_386 : i32 to index
          %get3A_389 = tpu.vector_load %arg7[%get3A_387, %get3A_388] {strides = array<i32>} : memref<16x2048xf32, #tpu.memory_space<vmem>>, vector<1x16xf32>,
          %get3A_390 = vector.shape_cast %get3A_389 : vector<1x16xf32> to vector<16xf32>
          %max3A_391 = arith.maximumf %max3A_382, %get3A_390 : vector<16xf32>
          scf.yield %max3A_391 : vector<16xf32>
        }
        %scan3A_248 = arith.constant 16 : i32
        %max3A = arith.maximumf %get3A_233, %scan3A_247 : vector<16xf32>
        %sub3A_249 = arith.subf %get3A_233, %max3A : vector<16xf32>
        %exp3A = math.exp %sub3A_249 : vector<16xf32>
        %mul3A_250 = arith.mulf %get3A_237, %exp3A : vector<16xf32>
        %scan3A_251 = arith.constant 0 : i32
        %scan3A_252 = arith.constant 16 : i32
        %scan3A_253 = arith.addi %scan3A_251, %scan3A_252 : i32
        %scan3A_254 = arith.constant 1 : i32
        %scan3A_255 = scf.for %scan3A_318 = %scan3A_251 to %scan3A_253 step %scan3A_254 iter_args(%scan3A_319 = %mul3A_250) -> (vector<16xf32>)  : i32 {
          %mul3A_320 = arith.constant 128 : i32
          %mul3A_321 = arith.muli %scan3A_318, %mul3A_320 : i32
          %add3A_322 = arith.constant 0 : i32
          %add3A_323 = arith.addi %mul3A_321, %add3A_322 : i32
          %get3A_324 = arith.index_cast %scan3A_227 : i32 to index
          %get3A_325 = arith.index_cast %add3A_323 : i32 to index
          %get3A_326 = tpu.vector_load %arg7[%get3A_324, %get3A_325] {strides = array<i32>} : memref<16x2048xf32, #tpu.memory_space<vmem>>, vector<1x16xf32>,
          %get3A_327 = vector.shape_cast %get3A_326 : vector<1x16xf32> to vector<16xf32>
          %sub3A_328 = arith.subf %get3A_327, %max3A : vector<16xf32>
          %exp3A_329 = math.exp %sub3A_328 : vector<16xf32>
          %add3A_330 = arith.addf %scan3A_319, %exp3A_329 : vector<16xf32>
          %mul3A_331 = arith.constant 128 : i32
          %mul3A_332 = arith.muli %scan3A_318, %mul3A_331 : i32
          %add3A_333 = arith.constant 16 : i32
          %add3A_334 = arith.addi %mul3A_332, %add3A_333 : i32
          %get3A_335 = arith.index_cast %scan3A_227 : i32 to index
          %get3A_336 = arith.index_cast %add3A_334 : i32 to index
          %get3A_337 = tpu.vector_load %arg7[%get3A_335, %get3A_336] {strides = array<i32>} : memref<16x2048xf32, #tpu.memory_space<vmem>>, vector<1x16xf32>,
          %get3A_338 = vector.shape_cast %get3A_337 : vector<1x16xf32> to vector<16xf32>
          %sub3A_339 = arith.subf %get3A_338, %max3A : vector<16xf32>
          %exp3A_340 = math.exp %sub3A_339 : vector<16xf32>
          %add3A_341 = arith.addf %add3A_330, %exp3A_340 : vector<16xf32>
          %mul3A_342 = arith.constant 128 : i32
          %mul3A_343 = arith.muli %scan3A_318, %mul3A_342 : i32
          %add3A_344 = arith.constant 32 : i32
          %add3A_345 = arith.addi %mul3A_343, %add3A_344 : i32
          %get3A_346 = arith.index_cast %scan3A_227 : i32 to index
          %get3A_347 = arith.index_cast %add3A_345 : i32 to index
          %get3A_348 = tpu.vector_load %arg7[%get3A_346, %get3A_347] {strides = array<i32>} : memref<16x2048xf32, #tpu.memory_space<vmem>>, vector<1x16xf32>,
          %get3A_349 = vector.shape_cast %get3A_348 : vector<1x16xf32> to vector<16xf32>
          %sub3A_350 = arith.subf %get3A_349, %max3A : vector<16xf32>
          %exp3A_351 = math.exp %sub3A_350 : vector<16xf32>
          %add3A_352 = arith.addf %add3A_341, %exp3A_351 : vector<16xf32>
          %mul3A_353 = arith.constant 128 : i32
          %mul3A_354 = arith.muli %scan3A_318, %mul3A_353 : i32
          %add3A_355 = arith.constant 48 : i32
          %add3A_356 = arith.addi %mul3A_354, %add3A_355 : i32
          %get3A_357 = arith.index_cast %scan3A_227 : i32 to index
          %get3A_358 = arith.index_cast %add3A_356 : i32 to index
          %get3A_359 = tpu.vector_load %arg7[%get3A_357, %get3A_358] {strides = array<i32>} : memref<16x2048xf32, #tpu.memory_space<vmem>>, vector<1x16xf32>,
          %get3A_360 = vector.shape_cast %get3A_359 : vector<1x16xf32> to vector<16xf32>
          %sub3A_361 = arith.subf %get3A_360, %max3A : vector<16xf32>
          %exp3A_362 = math.exp %sub3A_361 : vector<16xf32>
          %add3A_363 = arith.addf %add3A_352, %exp3A_362 : vector<16xf32>
          %mul3A_364 = arith.constant 128 : i32
          %mul3A_365 = arith.muli %scan3A_318, %mul3A_364 : i32
          %add3A_366 = arith.constant 64 : i32
          %add3A_367 = arith.addi %mul3A_365, %add3A_366 : i32
          %get3A_368 = arith.index_cast %scan3A_227 : i32 to index
          %get3A_369 = arith.index_cast %add3A_367 : i32 to index
          %get3A_370 = tpu.vector_load %arg7[%get3A_368, %get3A_369] {strides = array<i32>} : memref<16x2048xf32, #tpu.memory_space<vmem>>, vector<1x16xf32>,
          %get3A_371 = vector.shape_cast %get3A_370 : vector<1x16xf32> to vector<16xf32>
          %sub3A_372 = arith.subf %get3A_371, %max3A : vector<16xf32>
          %exp3A_373 = math.exp %sub3A_372 : vector<16xf32>
          %add3A_374 = arith.addf %add3A_363, %exp3A_373 : vector<16xf32>
          %mul3A_375 = arith.constant 128 : i32
          %mul3A_376 = arith.muli %scan3A_318, %mul3A_375 : i32
          %add3A_377 = arith.constant 80 : i32
          %add3A_378 = arith.addi %mul3A_376, %add3A_377 : i32
          %get3A_379 = arith.index_cast %scan3A_227 : i32 to index
          %get3A_380 = arith.index_cast %add3A_378 : i32 to index
          %get3A_381 = tpu.vector_load %arg7[%get3A_379, %get3A_380] {strides = array<i32>} : memref<16x2048xf32, #tpu.memory_space<vmem>>, vector<1x16xf32>,
          %get3A_382 = vector.shape_cast %get3A_381 : vector<1x16xf32> to vector<16xf32>
          %sub3A_383 = arith.subf %get3A_382, %max3A : vector<16xf32>
          %exp3A_384 = math.exp %sub3A_383 : vector<16xf32>
          %add3A_385 = arith.addf %add3A_374, %exp3A_384 : vector<16xf32>
          %mul3A_386 = arith.constant 128 : i32
          %mul3A_387 = arith.muli %scan3A_318, %mul3A_386 : i32
          %add3A_388 = arith.constant 96 : i32
          %add3A_389 = arith.addi %mul3A_387, %add3A_388 : i32
          %get3A_390 = arith.index_cast %scan3A_227 : i32 to index
          %get3A_391 = arith.index_cast %add3A_389 : i32 to index
          %get3A_392 = tpu.vector_load %arg7[%get3A_390, %get3A_391] {strides = array<i32>} : memref<16x2048xf32, #tpu.memory_space<vmem>>, vector<1x16xf32>,
          %get3A_393 = vector.shape_cast %get3A_392 : vector<1x16xf32> to vector<16xf32>
          %sub3A_394 = arith.subf %get3A_393, %max3A : vector<16xf32>
          %exp3A_395 = math.exp %sub3A_394 : vector<16xf32>
          %add3A_396 = arith.addf %add3A_385, %exp3A_395 : vector<16xf32>
          %mul3A_397 = arith.constant 128 : i32
          %mul3A_398 = arith.muli %scan3A_318, %mul3A_397 : i32
          %add3A_399 = arith.constant 112 : i32
          %add3A_400 = arith.addi %mul3A_398, %add3A_399 : i32
          %get3A_401 = arith.index_cast %scan3A_227 : i32 to index
          %get3A_402 = arith.index_cast %add3A_400 : i32 to index
          %get3A_403 = tpu.vector_load %arg7[%get3A_401, %get3A_402] {strides = array<i32>} : memref<16x2048xf32, #tpu.memory_space<vmem>>, vector<1x16xf32>,
          %get3A_404 = vector.shape_cast %get3A_403 : vector<1x16xf32> to vector<16xf32>
          %sub3A_405 = arith.subf %get3A_404, %max3A : vector<16xf32>
          %exp3A_406 = math.exp %sub3A_405 : vector<16xf32>
          %add3A_407 = arith.addf %add3A_396, %exp3A_406 : vector<16xf32>
          scf.yield %add3A_407 : vector<16xf32>
        }
        %scan3A_256 = arith.constant 16 : i32
        %get3A_257 = arith.index_cast %add3A_230 : i32 to index
        %get3A_258 = tpu.vector_load %arg12[%get3A_257] {strides = array<i32>} : memref<144xi32, #tpu.memory_space<vmem>>, vector<16xi32>,
        %get3A_259 = vector.shape_cast %get3A_258 : vector<16xi32> to vector<16xi32>
        %slice3A = vector.extract_strided_slice %get3A_259 {offsets = [0], sizes = [1], strides = [1]} : vector<16xi32> to vector<1xi32>
        %squeeze3A = vector.extract %slice3A[0] : i32 from vector<1xi32>
        %sub3A_260 = arith.subi %squeeze3A, %add3A_107 : i32
        %ge3A = arith.constant 0 : i32
        %ge3A_261 = arith.cmpi sge, %sub3A_260, %ge3A : i32
        %lt3A_262 = arith.constant 2048 : i32
        %lt3A_263 = arith.cmpi slt, %sub3A_260, %lt3A_262 : i32
        %and3A_264 = arith.andi %ge3A_261, %lt3A_263 : i1
        %max3A_265 = arith.constant 0 : i32
        %max3A_266 = arith.maxsi %sub3A_260, %max3A_265 : i32
        %jit3A_267 = arith.constant 16 : i32
        %div3A_268 = arith.divsi %max3A_266, %jit3A_267 : i32
        %sign3A_269 = arith.constant 0 : i32
        %sign3A_270 = arith.cmpi sgt, %max3A_266, %sign3A_269 : i32
        %sign3A_271 = arith.extui %sign3A_270 : i1 to i32
        %sign3A_272 = arith.constant 0 : i32
        %sign3A_273 = arith.cmpi slt, %max3A_266, %sign3A_272 : i32
        %sign3A_274 = arith.extui %sign3A_273 : i1 to i32
        %sign3A_275 = arith.subi %sign3A_271, %sign3A_274 : i32
        %sign3A_276 = arith.constant 0 : i32
        %sign3A_277 = arith.cmpi sgt, %jit3A_267, %sign3A_276 : i32
        %sign3A_278 = arith.extui %sign3A_277 : i1 to i32
        %sign3A_279 = arith.constant 0 : i32
        %sign3A_280 = arith.cmpi slt, %jit3A_267, %sign3A_279 : i32
        %sign3A_281 = arith.extui %sign3A_280 : i1 to i32
        %sign3A_282 = arith.subi %sign3A_278, %sign3A_281 : i32
        %ne3A_283 = arith.cmpi ne, %sign3A_275, %sign3A_282 : i32
        %rem3A_284 = arith.remsi %max3A_266, %jit3A_267 : i32
        %ne3A_285 = arith.constant 0 : i32
        %ne3A_286 = arith.cmpi ne, %rem3A_284, %ne3A_285 : i32
        %and3A_287 = arith.andi %ne3A_283, %ne3A_286 : i1
        %sub3A_288 = arith.constant 1 : i32
        %sub3A_289 = arith.subi %div3A_268, %sub3A_288 : i32
        %select_n3A_290 = arith.select %and3A_287, %sub3A_289, %div3A_268 : i32
        %mul3A_291 = arith.constant 16 : i32
        %mul3A_292 = arith.muli %select_n3A_290, %mul3A_291 : i32
        %min3A = arith.constant 2032 : i32
        %min3A_293 = arith.minsi %mul3A_292, %min3A : i32
        %get3A_294 = arith.index_cast %scan3A_227 : i32 to index
        %get3A_295 = arith.index_cast %min3A_293 : i32 to index
        %get3A_296 = tpu.vector_load %arg7[%get3A_294, %get3A_295] {strides = array<i32>} : memref<16x2048xf32, #tpu.memory_space<vmem>>, vector<1x16xf32>,
        %get3A_297 = vector.shape_cast %get3A_296 : vector<1x16xf32> to vector<16xf32>
        %sub3A_298 = arith.subi %sub3A_260, %min3A_293 : i32
        %jit3A_299 = arith.constant -1 : i32
        %select_n3A_300 = arith.select %and3A_264, %sub3A_298, %jit3A_299 : i32
        %eq3A_301 = vector.broadcast %select_n3A_300 : i32 to vector<16xi32>
        %eq3A_302 = arith.cmpi eq, %iota3A, %eq3A_301 : vector<16xi32>
        %select_n3A_303 = arith.select %eq3A_302, %get3A_297, %get3A_241 : vector<16xi1>, vector<16xf32>
        %swap3A = arith.index_cast %add3A_230 : i32 to index
        %swap3A_304 = arith.constant 0 : index
        %swap3A_305 = tpu.vector_load %arg9[%swap3A, %swap3A_304] {strides = array<i32>} : memref<128x16xf32, #tpu.memory_space<vmem>>, vector<1x16xf32>,
        %swap3A_306 = vector.shape_cast %swap3A_305 : vector<1x16xf32> to vector<16xf32>
        %swap3A_307 = vector.shape_cast %max3A : vector<16xf32> to vector<1x16xf32>
        tpu.vector_store %arg9[%swap3A, %swap3A_304], %swap3A_307 {strides = array<i32>} : memref<128x16xf32, #tpu.memory_space<vmem>>, vector<1x16xf32>,
        %swap3A_308 = arith.index_cast %add3A_230 : i32 to index
        %swap3A_309 = arith.constant 0 : index
        %swap3A_310 = tpu.vector_load %arg10[%swap3A_308, %swap3A_309] {strides = array<i32>} : memref<128x16xf32, #tpu.memory_space<vmem>>, vector<1x16xf32>,
        %swap3A_311 = vector.shape_cast %swap3A_310 : vector<1x16xf32> to vector<16xf32>
        %swap3A_312 = vector.shape_cast %scan3A_255 : vector<16xf32> to vector<1x16xf32>
        tpu.vector_store %arg10[%swap3A_308, %swap3A_309], %swap3A_312 {strides = array<i32>} : memref<128x16xf32, #tpu.memory_space<vmem>>, vector<1x16xf32>,
        %swap3A_313 = arith.index_cast %add3A_230 : i32 to index
        %swap3A_314 = arith.constant 0 : index
        %swap3A_315 = tpu.vector_load %arg11[%swap3A_313, %swap3A_314] {strides = array<i32>} : memref<128x16xf32, #tpu.memory_space<vmem>>, vector<1x16xf32>,
        %swap3A_316 = vector.shape_cast %swap3A_315 : vector<1x16xf32> to vector<16xf32>
        %swap3A_317 = vector.shape_cast %select_n3A_303 : vector<16xf32> to vector<1x16xf32>
        tpu.vector_store %arg11[%swap3A_313, %swap3A_314], %swap3A_317 {strides = array<i32>} : memref<128x16xf32, #tpu.memory_space<vmem>>, vector<1x16xf32>,
      }
      %scan3A_113 = arith.constant 16 : i32
      %add3A_114 = arith.constant 2 : i32
      %add3A_115 = arith.addi %mul3A_27, %add3A_114 : i32
      %lt3A_116 = arith.constant 96 : i32
      %lt3A_117 = arith.cmpi slt, %add3A_115, %lt3A_116 : i32
      %convert_element_type3A = arith.extui %lt3A_117 : i1 to i32
      %cond3A = arith.constant 0 : i32
      %cond3A_118 = arith.cmpi ne, %convert_element_type3A, %cond3A : i32
      scf.if %cond3A_118 {
        %add3A_227 = arith.constant 2 : i32
        %add3A_228 = arith.addi %mul3A_27, %add3A_227 : i32
        %jit3A_229 = arith.constant 12 : i32
        %div3A_230 = arith.divsi %add3A_228, %jit3A_229 : i32
        %sign3A_231 = arith.constant 0 : i32
        %sign3A_232 = arith.cmpi sgt, %add3A_228, %sign3A_231 : i32
        %sign3A_233 = arith.extui %sign3A_232 : i1 to i32
        %sign3A_234 = arith.constant 0 : i32
        %sign3A_235 = arith.cmpi slt, %add3A_228, %sign3A_234 : i32
        %sign3A_236 = arith.extui %sign3A_235 : i1 to i32
        %sign3A_237 = arith.subi %sign3A_233, %sign3A_236 : i32
        %sign3A_238 = arith.constant 0 : i32
        %sign3A_239 = arith.cmpi sgt, %jit3A_229, %sign3A_238 : i32
        %sign3A_240 = arith.extui %sign3A_239 : i1 to i32
        %sign3A_241 = arith.constant 0 : i32
        %sign3A_242 = arith.cmpi slt, %jit3A_229, %sign3A_241 : i32
        %sign3A_243 = arith.extui %sign3A_242 : i1 to i32
        %sign3A_244 = arith.subi %sign3A_240, %sign3A_243 : i32
        %ne3A_245 = arith.cmpi ne, %sign3A_237, %sign3A_244 : i32
        %rem3A_246 = arith.remsi %add3A_228, %jit3A_229 : i32
        %ne3A_247 = arith.constant 0 : i32
        %ne3A_248 = arith.cmpi ne, %rem3A_246, %ne3A_247 : i32
        %and3A_249 = arith.andi %ne3A_245, %ne3A_248 : i1
        %sub3A_250 = arith.constant 1 : i32
        %sub3A_251 = arith.subi %div3A_230, %sub3A_250 : i32
        %select_n3A_252 = arith.select %and3A_249, %sub3A_251, %div3A_230 : i32
        %mul3A_253 = arith.constant 16 : i32
        %mul3A_254 = arith.muli %select_n3A_252, %mul3A_253 : i32
        %add3A_255 = arith.addi %mul3A_2, %mul3A_254 : i32
        %jit3A_256 = arith.constant 12 : i32
        %eq3A_257 = arith.constant 0 : i32
        %eq3A_258 = arith.cmpi eq, %jit3A_256, %eq3A_257 : i32
        %jit3A_259 = arith.constant 1 : i32
        %select_n3A_260 = arith.select %eq3A_258, %jit3A_259, %jit3A_256 : i32
        %rem3A_261 = arith.remsi %add3A_228, %select_n3A_260 : i32
        %ne3A_262 = arith.constant 0 : i32
        %ne3A_263 = arith.cmpi ne, %rem3A_261, %ne3A_262 : i32
        %lt3A_264 = arith.constant 0 : i32
        %lt3A_265 = arith.cmpi slt, %rem3A_261, %lt3A_264 : i32
        %lt3A_266 = arith.constant 0 : i32
        %lt3A_267 = arith.cmpi slt, %select_n3A_260, %lt3A_266 : i32
        %ne3A_268 = arith.xori %lt3A_265, %lt3A_267 : i1
        %and3A_269 = arith.andi %ne3A_268, %ne3A_263 : i1
        %add3A_270 = arith.addi %rem3A_261, %select_n3A_260 : i32
        %select_n3A_271 = arith.select %and3A_269, %add3A_270, %rem3A_261 : i32
        %mul3A_272 = arith.constant 2048 : i32
        %mul3A_273 = arith.muli %select_n3A_271, %mul3A_272 : i32
        %dma_start3A_274 = tpu.memref_slice %arg2[%add3A_255, %mul3A_273] : memref<4096x24576xf32, #tpu.memory_space<hbm>> -> memref<16x2048xf32, #tpu.memory_space<hbm>>
        %dma_start3A_275 = tpu.memref_slice %arg2[%add3A_255, %mul3A_273] : memref<4096x24576xf32, #tpu.memory_space<hbm>> -> memref<16x2048xf32, #tpu.memory_space<hbm>>
        tpu.enqueue_dma source(%dma_start3A_275 : memref<16x2048xf32, #tpu.memory_space<hbm>>) target(%arg7 : memref<16x2048xf32, #tpu.memory_space<vmem>>) target_semaphore(%arg13 : memref<!tpu.dma_semaphore, #tpu.memory_space<semaphore_mem>>)
      } else {
      }
      %add3A_119 = arith.constant 1 : i32
      %add3A_120 = arith.addi %mul3A_27, %add3A_119 : i32
      %jit3A_121 = arith.constant 12 : i32
      %div3A_122 = arith.divsi %add3A_120, %jit3A_121 : i32
      %sign3A_123 = arith.constant 0 : i32
      %sign3A_124 = arith.cmpi sgt, %add3A_120, %sign3A_123 : i32
      %sign3A_125 = arith.extui %sign3A_124 : i1 to i32
      %sign3A_126 = arith.constant 0 : i32
      %sign3A_127 = arith.cmpi slt, %add3A_120, %sign3A_126 : i32
      %sign3A_128 = arith.extui %sign3A_127 : i1 to i32
      %sign3A_129 = arith.subi %sign3A_125, %sign3A_128 : i32
      %sign3A_130 = arith.constant 0 : i32
      %sign3A_131 = arith.cmpi sgt, %jit3A_121, %sign3A_130 : i32
      %sign3A_132 = arith.extui %sign3A_131 : i1 to i32
      %sign3A_133 = arith.constant 0 : i32
      %sign3A_134 = arith.cmpi slt, %jit3A_121, %sign3A_133 : i32
      %sign3A_135 = arith.extui %sign3A_134 : i1 to i32
      %sign3A_136 = arith.subi %sign3A_132, %sign3A_135 : i32
      %ne3A_137 = arith.cmpi ne, %sign3A_129, %sign3A_136 : i32
      %rem3A_138 = arith.remsi %add3A_120, %jit3A_121 : i32
      %ne3A_139 = arith.constant 0 : i32
      %ne3A_140 = arith.cmpi ne, %rem3A_138, %ne3A_139 : i32
      %and3A_141 = arith.andi %ne3A_137, %ne3A_140 : i1
      %sub3A_142 = arith.constant 1 : i32
      %sub3A_143 = arith.subi %div3A_122, %sub3A_142 : i32
      %select_n3A_144 = arith.select %and3A_141, %sub3A_143, %div3A_122 : i32
      %mul3A_145 = arith.constant 16 : i32
      %mul3A_146 = arith.muli %select_n3A_144, %mul3A_145 : i32
      %add3A_147 = arith.addi %mul3A_2, %mul3A_146 : i32
      %jit3A_148 = arith.constant 12 : i32
      %eq3A_149 = arith.constant 0 : i32
      %eq3A_150 = arith.cmpi eq, %jit3A_148, %eq3A_149 : i32
      %jit3A_151 = arith.constant 1 : i32
      %select_n3A_152 = arith.select %eq3A_150, %jit3A_151, %jit3A_148 : i32
      %rem3A_153 = arith.remsi %add3A_120, %select_n3A_152 : i32
      %ne3A_154 = arith.constant 0 : i32
      %ne3A_155 = arith.cmpi ne, %rem3A_153, %ne3A_154 : i32
      %lt3A_156 = arith.constant 0 : i32
      %lt3A_157 = arith.cmpi slt, %rem3A_153, %lt3A_156 : i32
      %lt3A_158 = arith.constant 0 : i32
      %lt3A_159 = arith.cmpi slt, %select_n3A_152, %lt3A_158 : i32
      %ne3A_160 = arith.xori %lt3A_157, %lt3A_159 : i1
      %and3A_161 = arith.andi %ne3A_160, %ne3A_155 : i1
      %add3A_162 = arith.addi %rem3A_153, %select_n3A_152 : i32
      %select_n3A_163 = arith.select %and3A_161, %add3A_162, %rem3A_153 : i32
      %mul3A_164 = arith.constant 2048 : i32
      %mul3A_165 = arith.muli %select_n3A_163, %mul3A_164 : i32
      %dma_wait3A_166 = tpu.memref_slice %arg2[%add3A_147, %mul3A_165] : memref<4096x24576xf32, #tpu.memory_space<hbm>> -> memref<16x2048xf32, #tpu.memory_space<hbm>>
      %dma_wait3A_167 = tpu.memref_slice %arg2[%add3A_147, %mul3A_165] : memref<4096x24576xf32, #tpu.memory_space<hbm>> -> memref<16x2048xf32, #tpu.memory_space<hbm>>
      tpu.wait_dma2 semaphore(%arg14 : memref<!tpu.dma_semaphore, #tpu.memory_space<semaphore_mem>>) src(%dma_wait3A_167 : memref<16x2048xf32, #tpu.memory_space<hbm>>) dst(%arg8 : memref<16x2048xf32, #tpu.memory_space<vmem>>)
      %add3A_168 = arith.constant 1 : i32
      %add3A_169 = arith.addi %mul3A_27, %add3A_168 : i32
      %jit3A_170 = arith.constant 12 : i32
      %div3A_171 = arith.divsi %add3A_169, %jit3A_170 : i32
      %sign3A_172 = arith.constant 0 : i32
      %sign3A_173 = arith.cmpi sgt, %add3A_169, %sign3A_172 : i32
      %sign3A_174 = arith.extui %sign3A_173 : i1 to i32
      %sign3A_175 = arith.constant 0 : i32
      %sign3A_176 = arith.cmpi slt, %add3A_169, %sign3A_175 : i32
      %sign3A_177 = arith.extui %sign3A_176 : i1 to i32
      %sign3A_178 = arith.subi %sign3A_174, %sign3A_177 : i32
      %sign3A_179 = arith.constant 0 : i32
      %sign3A_180 = arith.cmpi sgt, %jit3A_170, %sign3A_179 : i32
      %sign3A_181 = arith.extui %sign3A_180 : i1 to i32
      %sign3A_182 = arith.constant 0 : i32
      %sign3A_183 = arith.cmpi slt, %jit3A_170, %sign3A_182 : i32
      %sign3A_184 = arith.extui %sign3A_183 : i1 to i32
      %sign3A_185 = arith.subi %sign3A_181, %sign3A_184 : i32
      %ne3A_186 = arith.cmpi ne, %sign3A_178, %sign3A_185 : i32
      %rem3A_187 = arith.remsi %add3A_169, %jit3A_170 : i32
      %ne3A_188 = arith.constant 0 : i32
      %ne3A_189 = arith.cmpi ne, %rem3A_187, %ne3A_188 : i32
      %and3A_190 = arith.andi %ne3A_186, %ne3A_189 : i1
      %sub3A_191 = arith.constant 1 : i32
      %sub3A_192 = arith.subi %div3A_171, %sub3A_191 : i32
      %select_n3A_193 = arith.select %and3A_190, %sub3A_192, %div3A_171 : i32
      %jit3A_194 = arith.constant 12 : i32
      %eq3A_195 = arith.constant 0 : i32
      %eq3A_196 = arith.cmpi eq, %jit3A_194, %eq3A_195 : i32
      %jit3A_197 = arith.constant 1 : i32
      %select_n3A_198 = arith.select %eq3A_196, %jit3A_197, %jit3A_194 : i32
      %rem3A_199 = arith.remsi %add3A_169, %select_n3A_198 : i32
      %ne3A_200 = arith.constant 0 : i32
      %ne3A_201 = arith.cmpi ne, %rem3A_199, %ne3A_200 : i32
      %lt3A_202 = arith.constant 0 : i32
      %lt3A_203 = arith.cmpi slt, %rem3A_199, %lt3A_202 : i32
      %lt3A_204 = arith.constant 0 : i32
      %lt3A_205 = arith.cmpi slt, %select_n3A_198, %lt3A_204 : i32
      %ne3A_206 = arith.xori %lt3A_203, %lt3A_205 : i1
      %and3A_207 = arith.andi %ne3A_206, %ne3A_201 : i1
      %add3A_208 = arith.addi %rem3A_199, %select_n3A_198 : i32
      %select_n3A_209 = arith.select %and3A_207, %add3A_208, %rem3A_199 : i32
      %mul3A_210 = arith.constant 2048 : i32
      %mul3A_211 = arith.muli %select_n3A_209, %mul3A_210 : i32
      %add3A_212 = arith.constant 73728 : i32
      %add3A_213 = arith.addi %add3A_212, %mul3A_211 : i32
      %scan3A_214 = arith.constant 0 : i32
      %scan3A_215 = arith.constant 0 : i32
      %scan3A_216 = arith.constant 16 : i32
      %scan3A_217 = arith.addi %scan3A_215, %scan3A_216 : i32
      %scan3A_218 = arith.constant 1 : i32
      scf.for %scan3A_227 = %scan3A_215 to %scan3A_217 step %scan3A_218  : i32 {
        %mul3A_228 = arith.constant 16 : i32
        %mul3A_229 = arith.muli %select_n3A_193, %mul3A_228 : i32
        %add3A_230 = arith.addi %mul3A_229, %scan3A_227 : i32
        %get3A = arith.index_cast %add3A_230 : i32 to index
        %get3A_231 = arith.constant 0 : index
        %get3A_232 = tpu.vector_load %arg9[%get3A, %get3A_231] {strides = array<i32>} : memref<128x16xf32, #tpu.memory_space<vmem>>, vector<1x16xf32>,
        %get3A_233 = vector.shape_cast %get3A_232 : vector<1x16xf32> to vector<16xf32>
        %get3A_234 = arith.index_cast %add3A_230 : i32 to index
        %get3A_235 = arith.constant 0 : index
        %get3A_236 = tpu.vector_load %arg10[%get3A_234, %get3A_235] {strides = array<i32>} : memref<128x16xf32, #tpu.memory_space<vmem>>, vector<1x16xf32>,
        %get3A_237 = vector.shape_cast %get3A_236 : vector<1x16xf32> to vector<16xf32>
        %get3A_238 = arith.index_cast %add3A_230 : i32 to index
        %get3A_239 = arith.constant 0 : index
        %get3A_240 = tpu.vector_load %arg11[%get3A_238, %get3A_239] {strides = array<i32>} : memref<128x16xf32, #tpu.memory_space<vmem>>, vector<1x16xf32>,
        %get3A_241 = vector.shape_cast %get3A_240 : vector<1x16xf32> to vector<16xf32>
        %broadcast_in_dim3A = arith.constant 0xFF800000 : f32
        %broadcast_in_dim3A_242 = vector.broadcast %broadcast_in_dim3A : f32 to vector<16xf32>
        %scan3A_243 = arith.constant 0 : i32
        %scan3A_244 = arith.constant 16 : i32
        %scan3A_245 = arith.addi %scan3A_243, %scan3A_244 : i32
        %scan3A_246 = arith.constant 1 : i32
        %scan3A_247 = scf.for %scan3A_318 = %scan3A_243 to %scan3A_245 step %scan3A_246 iter_args(%scan3A_319 = %broadcast_in_dim3A_242) -> (vector<16xf32>)  : i32 {
          %mul3A_320 = arith.constant 128 : i32
          %mul3A_321 = arith.muli %scan3A_318, %mul3A_320 : i32
          %add3A_322 = arith.constant 0 : i32
          %add3A_323 = arith.addi %mul3A_321, %add3A_322 : i32
          %get3A_324 = arith.index_cast %scan3A_227 : i32 to index
          %get3A_325 = arith.index_cast %add3A_323 : i32 to index
          %get3A_326 = tpu.vector_load %arg8[%get3A_324, %get3A_325] {strides = array<i32>} : memref<16x2048xf32, #tpu.memory_space<vmem>>, vector<1x16xf32>,
          %get3A_327 = vector.shape_cast %get3A_326 : vector<1x16xf32> to vector<16xf32>
          %max3A_328 = arith.maximumf %scan3A_319, %get3A_327 : vector<16xf32>
          %mul3A_329 = arith.constant 128 : i32
          %mul3A_330 = arith.muli %scan3A_318, %mul3A_329 : i32
          %add3A_331 = arith.constant 16 : i32
          %add3A_332 = arith.addi %mul3A_330, %add3A_331 : i32
          %get3A_333 = arith.index_cast %scan3A_227 : i32 to index
          %get3A_334 = arith.index_cast %add3A_332 : i32 to index
          %get3A_335 = tpu.vector_load %arg8[%get3A_333, %get3A_334] {strides = array<i32>} : memref<16x2048xf32, #tpu.memory_space<vmem>>, vector<1x16xf32>,
          %get3A_336 = vector.shape_cast %get3A_335 : vector<1x16xf32> to vector<16xf32>
          %max3A_337 = arith.maximumf %max3A_328, %get3A_336 : vector<16xf32>
          %mul3A_338 = arith.constant 128 : i32
          %mul3A_339 = arith.muli %scan3A_318, %mul3A_338 : i32
          %add3A_340 = arith.constant 32 : i32
          %add3A_341 = arith.addi %mul3A_339, %add3A_340 : i32
          %get3A_342 = arith.index_cast %scan3A_227 : i32 to index
          %get3A_343 = arith.index_cast %add3A_341 : i32 to index
          %get3A_344 = tpu.vector_load %arg8[%get3A_342, %get3A_343] {strides = array<i32>} : memref<16x2048xf32, #tpu.memory_space<vmem>>, vector<1x16xf32>,
          %get3A_345 = vector.shape_cast %get3A_344 : vector<1x16xf32> to vector<16xf32>
          %max3A_346 = arith.maximumf %max3A_337, %get3A_345 : vector<16xf32>
          %mul3A_347 = arith.constant 128 : i32
          %mul3A_348 = arith.muli %scan3A_318, %mul3A_347 : i32
          %add3A_349 = arith.constant 48 : i32
          %add3A_350 = arith.addi %mul3A_348, %add3A_349 : i32
          %get3A_351 = arith.index_cast %scan3A_227 : i32 to index
          %get3A_352 = arith.index_cast %add3A_350 : i32 to index
          %get3A_353 = tpu.vector_load %arg8[%get3A_351, %get3A_352] {strides = array<i32>} : memref<16x2048xf32, #tpu.memory_space<vmem>>, vector<1x16xf32>,
          %get3A_354 = vector.shape_cast %get3A_353 : vector<1x16xf32> to vector<16xf32>
          %max3A_355 = arith.maximumf %max3A_346, %get3A_354 : vector<16xf32>
          %mul3A_356 = arith.constant 128 : i32
          %mul3A_357 = arith.muli %scan3A_318, %mul3A_356 : i32
          %add3A_358 = arith.constant 64 : i32
          %add3A_359 = arith.addi %mul3A_357, %add3A_358 : i32
          %get3A_360 = arith.index_cast %scan3A_227 : i32 to index
          %get3A_361 = arith.index_cast %add3A_359 : i32 to index
          %get3A_362 = tpu.vector_load %arg8[%get3A_360, %get3A_361] {strides = array<i32>} : memref<16x2048xf32, #tpu.memory_space<vmem>>, vector<1x16xf32>,
          %get3A_363 = vector.shape_cast %get3A_362 : vector<1x16xf32> to vector<16xf32>
          %max3A_364 = arith.maximumf %max3A_355, %get3A_363 : vector<16xf32>
          %mul3A_365 = arith.constant 128 : i32
          %mul3A_366 = arith.muli %scan3A_318, %mul3A_365 : i32
          %add3A_367 = arith.constant 80 : i32
          %add3A_368 = arith.addi %mul3A_366, %add3A_367 : i32
          %get3A_369 = arith.index_cast %scan3A_227 : i32 to index
          %get3A_370 = arith.index_cast %add3A_368 : i32 to index
          %get3A_371 = tpu.vector_load %arg8[%get3A_369, %get3A_370] {strides = array<i32>} : memref<16x2048xf32, #tpu.memory_space<vmem>>, vector<1x16xf32>,
          %get3A_372 = vector.shape_cast %get3A_371 : vector<1x16xf32> to vector<16xf32>
          %max3A_373 = arith.maximumf %max3A_364, %get3A_372 : vector<16xf32>
          %mul3A_374 = arith.constant 128 : i32
          %mul3A_375 = arith.muli %scan3A_318, %mul3A_374 : i32
          %add3A_376 = arith.constant 96 : i32
          %add3A_377 = arith.addi %mul3A_375, %add3A_376 : i32
          %get3A_378 = arith.index_cast %scan3A_227 : i32 to index
          %get3A_379 = arith.index_cast %add3A_377 : i32 to index
          %get3A_380 = tpu.vector_load %arg8[%get3A_378, %get3A_379] {strides = array<i32>} : memref<16x2048xf32, #tpu.memory_space<vmem>>, vector<1x16xf32>,
          %get3A_381 = vector.shape_cast %get3A_380 : vector<1x16xf32> to vector<16xf32>
          %max3A_382 = arith.maximumf %max3A_373, %get3A_381 : vector<16xf32>
          %mul3A_383 = arith.constant 128 : i32
          %mul3A_384 = arith.muli %scan3A_318, %mul3A_383 : i32
          %add3A_385 = arith.constant 112 : i32
          %add3A_386 = arith.addi %mul3A_384, %add3A_385 : i32
          %get3A_387 = arith.index_cast %scan3A_227 : i32 to index
          %get3A_388 = arith.index_cast %add3A_386 : i32 to index
          %get3A_389 = tpu.vector_load %arg8[%get3A_387, %get3A_388] {strides = array<i32>} : memref<16x2048xf32, #tpu.memory_space<vmem>>, vector<1x16xf32>,
          %get3A_390 = vector.shape_cast %get3A_389 : vector<1x16xf32> to vector<16xf32>
          %max3A_391 = arith.maximumf %max3A_382, %get3A_390 : vector<16xf32>
          scf.yield %max3A_391 : vector<16xf32>
        }
        %scan3A_248 = arith.constant 16 : i32
        %max3A = arith.maximumf %get3A_233, %scan3A_247 : vector<16xf32>
        %sub3A_249 = arith.subf %get3A_233, %max3A : vector<16xf32>
        %exp3A = math.exp %sub3A_249 : vector<16xf32>
        %mul3A_250 = arith.mulf %get3A_237, %exp3A : vector<16xf32>
        %scan3A_251 = arith.constant 0 : i32
        %scan3A_252 = arith.constant 16 : i32
        %scan3A_253 = arith.addi %scan3A_251, %scan3A_252 : i32
        %scan3A_254 = arith.constant 1 : i32
        %scan3A_255 = scf.for %scan3A_318 = %scan3A_251 to %scan3A_253 step %scan3A_254 iter_args(%scan3A_319 = %mul3A_250) -> (vector<16xf32>)  : i32 {
          %mul3A_320 = arith.constant 128 : i32
          %mul3A_321 = arith.muli %scan3A_318, %mul3A_320 : i32
          %add3A_322 = arith.constant 0 : i32
          %add3A_323 = arith.addi %mul3A_321, %add3A_322 : i32
          %get3A_324 = arith.index_cast %scan3A_227 : i32 to index
          %get3A_325 = arith.index_cast %add3A_323 : i32 to index
          %get3A_326 = tpu.vector_load %arg8[%get3A_324, %get3A_325] {strides = array<i32>} : memref<16x2048xf32, #tpu.memory_space<vmem>>, vector<1x16xf32>,
          %get3A_327 = vector.shape_cast %get3A_326 : vector<1x16xf32> to vector<16xf32>
          %sub3A_328 = arith.subf %get3A_327, %max3A : vector<16xf32>
          %exp3A_329 = math.exp %sub3A_328 : vector<16xf32>
          %add3A_330 = arith.addf %scan3A_319, %exp3A_329 : vector<16xf32>
          %mul3A_331 = arith.constant 128 : i32
          %mul3A_332 = arith.muli %scan3A_318, %mul3A_331 : i32
          %add3A_333 = arith.constant 16 : i32
          %add3A_334 = arith.addi %mul3A_332, %add3A_333 : i32
          %get3A_335 = arith.index_cast %scan3A_227 : i32 to index
          %get3A_336 = arith.index_cast %add3A_334 : i32 to index
          %get3A_337 = tpu.vector_load %arg8[%get3A_335, %get3A_336] {strides = array<i32>} : memref<16x2048xf32, #tpu.memory_space<vmem>>, vector<1x16xf32>,
          %get3A_338 = vector.shape_cast %get3A_337 : vector<1x16xf32> to vector<16xf32>
          %sub3A_339 = arith.subf %get3A_338, %max3A : vector<16xf32>
          %exp3A_340 = math.exp %sub3A_339 : vector<16xf32>
          %add3A_341 = arith.addf %add3A_330, %exp3A_340 : vector<16xf32>
          %mul3A_342 = arith.constant 128 : i32
          %mul3A_343 = arith.muli %scan3A_318, %mul3A_342 : i32
          %add3A_344 = arith.constant 32 : i32
          %add3A_345 = arith.addi %mul3A_343, %add3A_344 : i32
          %get3A_346 = arith.index_cast %scan3A_227 : i32 to index
          %get3A_347 = arith.index_cast %add3A_345 : i32 to index
          %get3A_348 = tpu.vector_load %arg8[%get3A_346, %get3A_347] {strides = array<i32>} : memref<16x2048xf32, #tpu.memory_space<vmem>>, vector<1x16xf32>,
          %get3A_349 = vector.shape_cast %get3A_348 : vector<1x16xf32> to vector<16xf32>
          %sub3A_350 = arith.subf %get3A_349, %max3A : vector<16xf32>
          %exp3A_351 = math.exp %sub3A_350 : vector<16xf32>
          %add3A_352 = arith.addf %add3A_341, %exp3A_351 : vector<16xf32>
          %mul3A_353 = arith.constant 128 : i32
          %mul3A_354 = arith.muli %scan3A_318, %mul3A_353 : i32
          %add3A_355 = arith.constant 48 : i32
          %add3A_356 = arith.addi %mul3A_354, %add3A_355 : i32
          %get3A_357 = arith.index_cast %scan3A_227 : i32 to index
          %get3A_358 = arith.index_cast %add3A_356 : i32 to index
          %get3A_359 = tpu.vector_load %arg8[%get3A_357, %get3A_358] {strides = array<i32>} : memref<16x2048xf32, #tpu.memory_space<vmem>>, vector<1x16xf32>,
          %get3A_360 = vector.shape_cast %get3A_359 : vector<1x16xf32> to vector<16xf32>
          %sub3A_361 = arith.subf %get3A_360, %max3A : vector<16xf32>
          %exp3A_362 = math.exp %sub3A_361 : vector<16xf32>
          %add3A_363 = arith.addf %add3A_352, %exp3A_362 : vector<16xf32>
          %mul3A_364 = arith.constant 128 : i32
          %mul3A_365 = arith.muli %scan3A_318, %mul3A_364 : i32
          %add3A_366 = arith.constant 64 : i32
          %add3A_367 = arith.addi %mul3A_365, %add3A_366 : i32
          %get3A_368 = arith.index_cast %scan3A_227 : i32 to index
          %get3A_369 = arith.index_cast %add3A_367 : i32 to index
          %get3A_370 = tpu.vector_load %arg8[%get3A_368, %get3A_369] {strides = array<i32>} : memref<16x2048xf32, #tpu.memory_space<vmem>>, vector<1x16xf32>,
          %get3A_371 = vector.shape_cast %get3A_370 : vector<1x16xf32> to vector<16xf32>
          %sub3A_372 = arith.subf %get3A_371, %max3A : vector<16xf32>
          %exp3A_373 = math.exp %sub3A_372 : vector<16xf32>
          %add3A_374 = arith.addf %add3A_363, %exp3A_373 : vector<16xf32>
          %mul3A_375 = arith.constant 128 : i32
          %mul3A_376 = arith.muli %scan3A_318, %mul3A_375 : i32
          %add3A_377 = arith.constant 80 : i32
          %add3A_378 = arith.addi %mul3A_376, %add3A_377 : i32
          %get3A_379 = arith.index_cast %scan3A_227 : i32 to index
          %get3A_380 = arith.index_cast %add3A_378 : i32 to index
          %get3A_381 = tpu.vector_load %arg8[%get3A_379, %get3A_380] {strides = array<i32>} : memref<16x2048xf32, #tpu.memory_space<vmem>>, vector<1x16xf32>,
          %get3A_382 = vector.shape_cast %get3A_381 : vector<1x16xf32> to vector<16xf32>
          %sub3A_383 = arith.subf %get3A_382, %max3A : vector<16xf32>
          %exp3A_384 = math.exp %sub3A_383 : vector<16xf32>
          %add3A_385 = arith.addf %add3A_374, %exp3A_384 : vector<16xf32>
          %mul3A_386 = arith.constant 128 : i32
          %mul3A_387 = arith.muli %scan3A_318, %mul3A_386 : i32
          %add3A_388 = arith.constant 96 : i32
          %add3A_389 = arith.addi %mul3A_387, %add3A_388 : i32
          %get3A_390 = arith.index_cast %scan3A_227 : i32 to index
          %get3A_391 = arith.index_cast %add3A_389 : i32 to index
          %get3A_392 = tpu.vector_load %arg8[%get3A_390, %get3A_391] {strides = array<i32>} : memref<16x2048xf32, #tpu.memory_space<vmem>>, vector<1x16xf32>,
          %get3A_393 = vector.shape_cast %get3A_392 : vector<1x16xf32> to vector<16xf32>
          %sub3A_394 = arith.subf %get3A_393, %max3A : vector<16xf32>
          %exp3A_395 = math.exp %sub3A_394 : vector<16xf32>
          %add3A_396 = arith.addf %add3A_385, %exp3A_395 : vector<16xf32>
          %mul3A_397 = arith.constant 128 : i32
          %mul3A_398 = arith.muli %scan3A_318, %mul3A_397 : i32
          %add3A_399 = arith.constant 112 : i32
          %add3A_400 = arith.addi %mul3A_398, %add3A_399 : i32
          %get3A_401 = arith.index_cast %scan3A_227 : i32 to index
          %get3A_402 = arith.index_cast %add3A_400 : i32 to index
          %get3A_403 = tpu.vector_load %arg8[%get3A_401, %get3A_402] {strides = array<i32>} : memref<16x2048xf32, #tpu.memory_space<vmem>>, vector<1x16xf32>,
          %get3A_404 = vector.shape_cast %get3A_403 : vector<1x16xf32> to vector<16xf32>
          %sub3A_405 = arith.subf %get3A_404, %max3A : vector<16xf32>
          %exp3A_406 = math.exp %sub3A_405 : vector<16xf32>
          %add3A_407 = arith.addf %add3A_396, %exp3A_406 : vector<16xf32>
          scf.yield %add3A_407 : vector<16xf32>
        }
        %scan3A_256 = arith.constant 16 : i32
        %get3A_257 = arith.index_cast %add3A_230 : i32 to index
        %get3A_258 = tpu.vector_load %arg12[%get3A_257] {strides = array<i32>} : memref<144xi32, #tpu.memory_space<vmem>>, vector<16xi32>,
        %get3A_259 = vector.shape_cast %get3A_258 : vector<16xi32> to vector<16xi32>
        %slice3A = vector.extract_strided_slice %get3A_259 {offsets = [0], sizes = [1], strides = [1]} : vector<16xi32> to vector<1xi32>
        %squeeze3A = vector.extract %slice3A[0] : i32 from vector<1xi32>
        %sub3A_260 = arith.subi %squeeze3A, %add3A_213 : i32
        %ge3A = arith.constant 0 : i32
        %ge3A_261 = arith.cmpi sge, %sub3A_260, %ge3A : i32
        %lt3A_262 = arith.constant 2048 : i32
        %lt3A_263 = arith.cmpi slt, %sub3A_260, %lt3A_262 : i32
        %and3A_264 = arith.andi %ge3A_261, %lt3A_263 : i1
        %max3A_265 = arith.constant 0 : i32
        %max3A_266 = arith.maxsi %sub3A_260, %max3A_265 : i32
        %jit3A_267 = arith.constant 16 : i32
        %div3A_268 = arith.divsi %max3A_266, %jit3A_267 : i32
        %sign3A_269 = arith.constant 0 : i32
        %sign3A_270 = arith.cmpi sgt, %max3A_266, %sign3A_269 : i32
        %sign3A_271 = arith.extui %sign3A_270 : i1 to i32
        %sign3A_272 = arith.constant 0 : i32
        %sign3A_273 = arith.cmpi slt, %max3A_266, %sign3A_272 : i32
        %sign3A_274 = arith.extui %sign3A_273 : i1 to i32
        %sign3A_275 = arith.subi %sign3A_271, %sign3A_274 : i32
        %sign3A_276 = arith.constant 0 : i32
        %sign3A_277 = arith.cmpi sgt, %jit3A_267, %sign3A_276 : i32
        %sign3A_278 = arith.extui %sign3A_277 : i1 to i32
        %sign3A_279 = arith.constant 0 : i32
        %sign3A_280 = arith.cmpi slt, %jit3A_267, %sign3A_279 : i32
        %sign3A_281 = arith.extui %sign3A_280 : i1 to i32
        %sign3A_282 = arith.subi %sign3A_278, %sign3A_281 : i32
        %ne3A_283 = arith.cmpi ne, %sign3A_275, %sign3A_282 : i32
        %rem3A_284 = arith.remsi %max3A_266, %jit3A_267 : i32
        %ne3A_285 = arith.constant 0 : i32
        %ne3A_286 = arith.cmpi ne, %rem3A_284, %ne3A_285 : i32
        %and3A_287 = arith.andi %ne3A_283, %ne3A_286 : i1
        %sub3A_288 = arith.constant 1 : i32
        %sub3A_289 = arith.subi %div3A_268, %sub3A_288 : i32
        %select_n3A_290 = arith.select %and3A_287, %sub3A_289, %div3A_268 : i32
        %mul3A_291 = arith.constant 16 : i32
        %mul3A_292 = arith.muli %select_n3A_290, %mul3A_291 : i32
        %min3A = arith.constant 2032 : i32
        %min3A_293 = arith.minsi %mul3A_292, %min3A : i32
        %get3A_294 = arith.index_cast %scan3A_227 : i32 to index
        %get3A_295 = arith.index_cast %min3A_293 : i32 to index
        %get3A_296 = tpu.vector_load %arg8[%get3A_294, %get3A_295] {strides = array<i32>} : memref<16x2048xf32, #tpu.memory_space<vmem>>, vector<1x16xf32>,
        %get3A_297 = vector.shape_cast %get3A_296 : vector<1x16xf32> to vector<16xf32>
        %sub3A_298 = arith.subi %sub3A_260, %min3A_293 : i32
        %jit3A_299 = arith.constant -1 : i32
        %select_n3A_300 = arith.select %and3A_264, %sub3A_298, %jit3A_299 : i32
        %eq3A_301 = vector.broadcast %select_n3A_300 : i32 to vector<16xi32>
        %eq3A_302 = arith.cmpi eq, %iota3A, %eq3A_301 : vector<16xi32>
        %select_n3A_303 = arith.select %eq3A_302, %get3A_297, %get3A_241 : vector<16xi1>, vector<16xf32>
        %swap3A = arith.index_cast %add3A_230 : i32 to index
        %swap3A_304 = arith.constant 0 : index
        %swap3A_305 = tpu.vector_load %arg9[%swap3A, %swap3A_304] {strides = array<i32>} : memref<128x16xf32, #tpu.memory_space<vmem>>, vector<1x16xf32>,
        %swap3A_306 = vector.shape_cast %swap3A_305 : vector<1x16xf32> to vector<16xf32>
        %swap3A_307 = vector.shape_cast %max3A : vector<16xf32> to vector<1x16xf32>
        tpu.vector_store %arg9[%swap3A, %swap3A_304], %swap3A_307 {strides = array<i32>} : memref<128x16xf32, #tpu.memory_space<vmem>>, vector<1x16xf32>,
        %swap3A_308 = arith.index_cast %add3A_230 : i32 to index
        %swap3A_309 = arith.constant 0 : index
        %swap3A_310 = tpu.vector_load %arg10[%swap3A_308, %swap3A_309] {strides = array<i32>} : memref<128x16xf32, #tpu.memory_space<vmem>>, vector<1x16xf32>,
        %swap3A_311 = vector.shape_cast %swap3A_310 : vector<1x16xf32> to vector<16xf32>
        %swap3A_312 = vector.shape_cast %scan3A_255 : vector<16xf32> to vector<1x16xf32>
        tpu.vector_store %arg10[%swap3A_308, %swap3A_309], %swap3A_312 {strides = array<i32>} : memref<128x16xf32, #tpu.memory_space<vmem>>, vector<1x16xf32>,
        %swap3A_313 = arith.index_cast %add3A_230 : i32 to index
        %swap3A_314 = arith.constant 0 : index
        %swap3A_315 = tpu.vector_load %arg11[%swap3A_313, %swap3A_314] {strides = array<i32>} : memref<128x16xf32, #tpu.memory_space<vmem>>, vector<1x16xf32>,
        %swap3A_316 = vector.shape_cast %swap3A_315 : vector<1x16xf32> to vector<16xf32>
        %swap3A_317 = vector.shape_cast %select_n3A_303 : vector<16xf32> to vector<1x16xf32>
        tpu.vector_store %arg11[%swap3A_313, %swap3A_314], %swap3A_317 {strides = array<i32>} : memref<128x16xf32, #tpu.memory_space<vmem>>, vector<1x16xf32>,
      }
      %scan3A_219 = arith.constant 16 : i32
      %add3A_220 = arith.constant 3 : i32
      %add3A_221 = arith.addi %mul3A_27, %add3A_220 : i32
      %lt3A_222 = arith.constant 96 : i32
      %lt3A_223 = arith.cmpi slt, %add3A_221, %lt3A_222 : i32
      %convert_element_type3A_224 = arith.extui %lt3A_223 : i1 to i32
      %cond3A_225 = arith.constant 0 : i32
      %cond3A_226 = arith.cmpi ne, %convert_element_type3A_224, %cond3A_225 : i32
      scf.if %cond3A_226 {
        %add3A_227 = arith.constant 3 : i32
        %add3A_228 = arith.addi %mul3A_27, %add3A_227 : i32
        %jit3A_229 = arith.constant 12 : i32
        %div3A_230 = arith.divsi %add3A_228, %jit3A_229 : i32
        %sign3A_231 = arith.constant 0 : i32
        %sign3A_232 = arith.cmpi sgt, %add3A_228, %sign3A_231 : i32
        %sign3A_233 = arith.extui %sign3A_232 : i1 to i32
        %sign3A_234 = arith.constant 0 : i32
        %sign3A_235 = arith.cmpi slt, %add3A_228, %sign3A_234 : i32
        %sign3A_236 = arith.extui %sign3A_235 : i1 to i32
        %sign3A_237 = arith.subi %sign3A_233, %sign3A_236 : i32
        %sign3A_238 = arith.constant 0 : i32
        %sign3A_239 = arith.cmpi sgt, %jit3A_229, %sign3A_238 : i32
        %sign3A_240 = arith.extui %sign3A_239 : i1 to i32
        %sign3A_241 = arith.constant 0 : i32
        %sign3A_242 = arith.cmpi slt, %jit3A_229, %sign3A_241 : i32
        %sign3A_243 = arith.extui %sign3A_242 : i1 to i32
        %sign3A_244 = arith.subi %sign3A_240, %sign3A_243 : i32
        %ne3A_245 = arith.cmpi ne, %sign3A_237, %sign3A_244 : i32
        %rem3A_246 = arith.remsi %add3A_228, %jit3A_229 : i32
        %ne3A_247 = arith.constant 0 : i32
        %ne3A_248 = arith.cmpi ne, %rem3A_246, %ne3A_247 : i32
        %and3A_249 = arith.andi %ne3A_245, %ne3A_248 : i1
        %sub3A_250 = arith.constant 1 : i32
        %sub3A_251 = arith.subi %div3A_230, %sub3A_250 : i32
        %select_n3A_252 = arith.select %and3A_249, %sub3A_251, %div3A_230 : i32
        %mul3A_253 = arith.constant 16 : i32
        %mul3A_254 = arith.muli %select_n3A_252, %mul3A_253 : i32
        %add3A_255 = arith.addi %mul3A_2, %mul3A_254 : i32
        %jit3A_256 = arith.constant 12 : i32
        %eq3A_257 = arith.constant 0 : i32
        %eq3A_258 = arith.cmpi eq, %jit3A_256, %eq3A_257 : i32
        %jit3A_259 = arith.constant 1 : i32
        %select_n3A_260 = arith.select %eq3A_258, %jit3A_259, %jit3A_256 : i32
        %rem3A_261 = arith.remsi %add3A_228, %select_n3A_260 : i32
        %ne3A_262 = arith.constant 0 : i32
        %ne3A_263 = arith.cmpi ne, %rem3A_261, %ne3A_262 : i32
        %lt3A_264 = arith.constant 0 : i32
        %lt3A_265 = arith.cmpi slt, %rem3A_261, %lt3A_264 : i32
        %lt3A_266 = arith.constant 0 : i32
        %lt3A_267 = arith.cmpi slt, %select_n3A_260, %lt3A_266 : i32
        %ne3A_268 = arith.xori %lt3A_265, %lt3A_267 : i1
        %and3A_269 = arith.andi %ne3A_268, %ne3A_263 : i1
        %add3A_270 = arith.addi %rem3A_261, %select_n3A_260 : i32
        %select_n3A_271 = arith.select %and3A_269, %add3A_270, %rem3A_261 : i32
        %mul3A_272 = arith.constant 2048 : i32
        %mul3A_273 = arith.muli %select_n3A_271, %mul3A_272 : i32
        %dma_start3A_274 = tpu.memref_slice %arg2[%add3A_255, %mul3A_273] : memref<4096x24576xf32, #tpu.memory_space<hbm>> -> memref<16x2048xf32, #tpu.memory_space<hbm>>
        %dma_start3A_275 = tpu.memref_slice %arg2[%add3A_255, %mul3A_273] : memref<4096x24576xf32, #tpu.memory_space<hbm>> -> memref<16x2048xf32, #tpu.memory_space<hbm>>
        tpu.enqueue_dma source(%dma_start3A_275 : memref<16x2048xf32, #tpu.memory_space<hbm>>) target(%arg8 : memref<16x2048xf32, #tpu.memory_space<vmem>>) target_semaphore(%arg14 : memref<!tpu.dma_semaphore, #tpu.memory_space<semaphore_mem>>)
      } else {
      }
    }
    %scan3A_24 = arith.constant 48 : i32
    "tpu.region"() ({
      %run_scoped3A = tpu.sem_alloc : memref<!tpu.dma_semaphore, #tpu.memory_space<semaphore_mem>>
      %dma_start3A_25 = arith.constant 0 : i32
      %dma_start3A_26 = tpu.memref_slice %arg4[%mul3A_2, %dma_start3A_25] : memref<4096x16xf32, #tpu.memory_space<hbm>> -> memref<128x16xf32, #tpu.memory_space<hbm>>
      %dma_start3A_27 = arith.constant 0 : i32
      %dma_start3A_28 = tpu.memref_slice %arg4[%mul3A_2, %dma_start3A_27] : memref<4096x16xf32, #tpu.memory_space<hbm>> -> memref<128x16xf32, #tpu.memory_space<hbm>>
      tpu.enqueue_dma source(%arg9 : memref<128x16xf32, #tpu.memory_space<vmem>>) target(%dma_start3A_28 : memref<128x16xf32, #tpu.memory_space<hbm>>) target_semaphore(%run_scoped3A : memref<!tpu.dma_semaphore, #tpu.memory_space<semaphore_mem>>)
      %dma_wait3A = arith.constant 0 : i32
      %dma_wait3A_29 = tpu.memref_slice %arg4[%mul3A_2, %dma_wait3A] : memref<4096x16xf32, #tpu.memory_space<hbm>> -> memref<128x16xf32, #tpu.memory_space<hbm>>
      %dma_wait3A_30 = arith.constant 0 : i32
      %dma_wait3A_31 = tpu.memref_slice %arg4[%mul3A_2, %dma_wait3A_30] : memref<4096x16xf32, #tpu.memory_space<hbm>> -> memref<128x16xf32, #tpu.memory_space<hbm>>
      tpu.wait_dma2 semaphore(%run_scoped3A : memref<!tpu.dma_semaphore, #tpu.memory_space<semaphore_mem>>) src(%arg9 : memref<128x16xf32, #tpu.memory_space<vmem>>) dst(%dma_wait3A_31 : memref<128x16xf32, #tpu.memory_space<hbm>>)
      tpu.yield
    }) : () -> ()
    "tpu.region"() ({
      %run_scoped3A = tpu.sem_alloc : memref<!tpu.dma_semaphore, #tpu.memory_space<semaphore_mem>>
      %dma_start3A_25 = arith.constant 0 : i32
      %dma_start3A_26 = tpu.memref_slice %arg5[%mul3A_2, %dma_start3A_25] : memref<4096x16xf32, #tpu.memory_space<hbm>> -> memref<128x16xf32, #tpu.memory_space<hbm>>
      %dma_start3A_27 = arith.constant 0 : i32
      %dma_start3A_28 = tpu.memref_slice %arg5[%mul3A_2, %dma_start3A_27] : memref<4096x16xf32, #tpu.memory_space<hbm>> -> memref<128x16xf32, #tpu.memory_space<hbm>>
      tpu.enqueue_dma source(%arg10 : memref<128x16xf32, #tpu.memory_space<vmem>>) target(%dma_start3A_28 : memref<128x16xf32, #tpu.memory_space<hbm>>) target_semaphore(%run_scoped3A : memref<!tpu.dma_semaphore, #tpu.memory_space<semaphore_mem>>)
      %dma_wait3A = arith.constant 0 : i32
      %dma_wait3A_29 = tpu.memref_slice %arg5[%mul3A_2, %dma_wait3A] : memref<4096x16xf32, #tpu.memory_space<hbm>> -> memref<128x16xf32, #tpu.memory_space<hbm>>
      %dma_wait3A_30 = arith.constant 0 : i32
      %dma_wait3A_31 = tpu.memref_slice %arg5[%mul3A_2, %dma_wait3A_30] : memref<4096x16xf32, #tpu.memory_space<hbm>> -> memref<128x16xf32, #tpu.memory_space<hbm>>
      tpu.wait_dma2 semaphore(%run_scoped3A : memref<!tpu.dma_semaphore, #tpu.memory_space<semaphore_mem>>) src(%arg10 : memref<128x16xf32, #tpu.memory_space<vmem>>) dst(%dma_wait3A_31 : memref<128x16xf32, #tpu.memory_space<hbm>>)
      tpu.yield
    }) : () -> ()
    "tpu.region"() ({
      %run_scoped3A = tpu.sem_alloc : memref<!tpu.dma_semaphore, #tpu.memory_space<semaphore_mem>>
      %dma_start3A_25 = arith.constant 0 : i32
      %dma_start3A_26 = tpu.memref_slice %arg6[%mul3A_2, %dma_start3A_25] : memref<4096x16xf32, #tpu.memory_space<hbm>> -> memref<128x16xf32, #tpu.memory_space<hbm>>
      %dma_start3A_27 = arith.constant 0 : i32
      %dma_start3A_28 = tpu.memref_slice %arg6[%mul3A_2, %dma_start3A_27] : memref<4096x16xf32, #tpu.memory_space<hbm>> -> memref<128x16xf32, #tpu.memory_space<hbm>>
      tpu.enqueue_dma source(%arg11 : memref<128x16xf32, #tpu.memory_space<vmem>>) target(%dma_start3A_28 : memref<128x16xf32, #tpu.memory_space<hbm>>) target_semaphore(%run_scoped3A : memref<!tpu.dma_semaphore, #tpu.memory_space<semaphore_mem>>)
      %dma_wait3A = arith.constant 0 : i32
      %dma_wait3A_29 = tpu.memref_slice %arg6[%mul3A_2, %dma_wait3A] : memref<4096x16xf32, #tpu.memory_space<hbm>> -> memref<128x16xf32, #tpu.memory_space<hbm>>
      %dma_wait3A_30 = arith.constant 0 : i32
      %dma_wait3A_31 = tpu.memref_slice %arg6[%mul3A_2, %dma_wait3A_30] : memref<4096x16xf32, #tpu.memory_space<hbm>> -> memref<128x16xf32, #tpu.memory_space<hbm>>
      tpu.wait_dma2 semaphore(%run_scoped3A : memref<!tpu.dma_semaphore, #tpu.memory_space<semaphore_mem>>) src(%arg11 : memref<128x16xf32, #tpu.memory_space<vmem>>) dst(%dma_wait3A_31 : memref<128x16xf32, #tpu.memory_space<hbm>>)
      tpu.yield
    }) : () -> ()
    return
  }
}

module attributes {stable_mosaic.version = 14 : i64} {
  func.func @_tc_main_body(%arg0: i32, %arg1: i32, %arg2: memref<128x1xi32, #tpu.memory_space<vmem>>, %arg3: memref<128x8192xf32, #tpu.memory_space<vmem>>, %arg4: memref<128x8xf32, #tpu.memory_space<vmem>>, %arg5: memref<128x1xf32, #tpu.memory_space<vmem>>, %arg6: memref<128x1xf32, #tpu.memory_space<vmem>>, %arg7: memref<128x1xf32, #tpu.memory_space<vmem>>, %arg8: memref<128x8xf32, #tpu.memory_space<vmem>>) attributes {dimension_semantics = [#tpu.dimension_semantics<parallel>, #tpu.dimension_semantics<arbitrary>], iteration_bounds = array<i64: 32, 10>, scalar_prefetch = 0 : i64, scratch_operands = 4 : i64, tpu.core_type = #tpu.core_type<tc>, window_params = [{transform_indices = @transform_0, window_bounds = array<i64: 128, 1>}, {transform_indices = @transform_1, window_bounds = array<i64: 128, 8192>}, {transform_indices = @transform_2, window_bounds = array<i64: 128, 8>}]} {
    %eq3A = arith.constant 0 : i32
    %eq3A_0 = arith.cmpi eq, %arg1, %eq3A : i32
    %convert_element_type3A = arith.extui %eq3A_0 : i1 to i32
    %cond3A = arith.constant 0 : i32
    %cond3A_1 = arith.cmpi ne, %convert_element_type3A, %cond3A : i32
    scf.if %cond3A_1 {
      %broadcast_in_dim3A_151 = arith.constant 0xFF800000 : f32
      %broadcast_in_dim3A_152 = vector.broadcast %broadcast_in_dim3A_151 : f32 to vector<128x1xf32>
      %swap3A_153 = arith.constant 0 : index
      %swap3A_154 = arith.constant 0 : index
      %swap3A_155 = vector.load %arg5[%swap3A_153, %swap3A_154] : memref<128x1xf32, #tpu.memory_space<vmem>>, vector<128x1xf32>
      tpu.vector_store %arg5[%swap3A_153, %swap3A_154], %broadcast_in_dim3A_152 {strides = array<i32>} : memref<128x1xf32, #tpu.memory_space<vmem>>, vector<128x1xf32>,
      %broadcast_in_dim3A_156 = arith.constant 0.000000e+00 : f32
      %broadcast_in_dim3A_157 = vector.broadcast %broadcast_in_dim3A_156 : f32 to vector<128x1xf32>
      %swap3A_158 = arith.constant 0 : index
      %swap3A_159 = arith.constant 0 : index
      %swap3A_160 = vector.load %arg6[%swap3A_158, %swap3A_159] : memref<128x1xf32, #tpu.memory_space<vmem>>, vector<128x1xf32>
      tpu.vector_store %arg6[%swap3A_158, %swap3A_159], %broadcast_in_dim3A_157 {strides = array<i32>} : memref<128x1xf32, #tpu.memory_space<vmem>>, vector<128x1xf32>,
      %broadcast_in_dim3A_161 = arith.constant 0.000000e+00 : f32
      %broadcast_in_dim3A_162 = vector.broadcast %broadcast_in_dim3A_161 : f32 to vector<128x1xf32>
      %swap3A_163 = arith.constant 0 : index
      %swap3A_164 = arith.constant 0 : index
      %swap3A_165 = vector.load %arg7[%swap3A_163, %swap3A_164] : memref<128x1xf32, #tpu.memory_space<vmem>>, vector<128x1xf32>
      tpu.vector_store %arg7[%swap3A_163, %swap3A_164], %broadcast_in_dim3A_162 {strides = array<i32>} : memref<128x1xf32, #tpu.memory_space<vmem>>, vector<128x1xf32>,
      %broadcast_in_dim3A_166 = arith.constant 0xFF800000 : f32
      %broadcast_in_dim3A_167 = vector.broadcast %broadcast_in_dim3A_166 : f32 to vector<128x8xf32>
      %swap3A_168 = arith.constant 0 : index
      %swap3A_169 = arith.constant 0 : index
      %swap3A_170 = vector.load %arg8[%swap3A_168, %swap3A_169] : memref<128x8xf32, #tpu.memory_space<vmem>>, vector<128x8xf32>
      tpu.vector_store %arg8[%swap3A_168, %swap3A_169], %broadcast_in_dim3A_167 {strides = array<i32>} : memref<128x8xf32, #tpu.memory_space<vmem>>, vector<128x8xf32>,
    } else {
    }
    %get3A = arith.constant 0 : index
    %get3A_2 = arith.constant 0 : index
    %get3A_3 = vector.load %arg3[%get3A, %get3A_2] : memref<128x8192xf32, #tpu.memory_space<vmem>>, vector<128x8192xf32>
    %eq3A_4 = arith.constant 9 : i32
    %eq3A_5 = arith.cmpi eq, %arg1, %eq3A_4 : i32
    %jit3A = arith.constant 12 : i32
    %select_n3A = arith.select %eq3A_5, %jit3A, %arg1 : i32
    %iota3A = tpu.iota {dimensions = array<i32: 1>} : vector<128x8192xi32>
    %mul3A = arith.constant 8192 : i32
    %mul3A_6 = arith.muli %select_n3A, %mul3A : i32
    %add3A = vector.broadcast %mul3A_6 : i32 to vector<128x8192xi32>
    %add3A_7 = arith.addi %iota3A, %add3A : vector<128x8192xi32>
    %eq3A_8 = arith.constant 9 : i32
    %eq3A_9 = arith.cmpi eq, %arg1, %eq3A_8 : i32
    %convert_element_type3A_10 = arith.extui %eq3A_9 : i1 to i32
    %cond3A_11 = arith.constant 0 : i32
    %cond3A_12 = arith.cmpi ne, %convert_element_type3A_10, %cond3A_11 : i32
    %cond3A_13 = scf.if %cond3A_12 -> (vector<128x8192xf32>) {
      %lt3A = arith.constant 100000 : i32
      %lt3A_151 = vector.broadcast %lt3A : i32 to vector<128x8192xi32>
      %lt3A_152 = arith.cmpi slt, %add3A_7, %lt3A_151 : vector<128x8192xi32>
      %jit3A_153 = arith.constant 0xFF800000 : f32
      %broadcast_in_dim3A_154 = vector.broadcast %jit3A_153 : f32 to vector<128x8192xf32>
      %select_n3A_155 = arith.select %lt3A_152, %get3A_3, %broadcast_in_dim3A_154 : vector<128x8192xi1>, vector<128x8192xf32>
      scf.yield %select_n3A_155 : vector<128x8192xf32>
    } else {
      scf.yield %get3A_3 : vector<128x8192xf32>
    }
    %reduce_max3A = arith.constant dense<0xFF800000> : vector<128xf32>
    %reduce_max3A_14 = vector.multi_reduction <maximumf>, %cond3A_13, %reduce_max3A [1] : vector<128x8192xf32> to vector<128xf32>
    %broadcast_in_dim3A = vector.shape_cast %reduce_max3A_14 : vector<128xf32> to vector<128x1xf32>
    %get3A_15 = arith.constant 0 : index
    %get3A_16 = arith.constant 0 : index
    %get3A_17 = vector.load %arg5[%get3A_15, %get3A_16] : memref<128x1xf32, #tpu.memory_space<vmem>>, vector<128x1xf32>
    %max3A = arith.maximumf %get3A_17, %broadcast_in_dim3A : vector<128x1xf32>
    %sub3A = vector.broadcast %max3A : vector<128x1xf32> to vector<128x8192xf32>
    %sub3A_18 = arith.subf %cond3A_13, %sub3A : vector<128x8192xf32>
    %exp3A = math.exp %sub3A_18 : vector<128x8192xf32>
    %get3A_19 = arith.constant 0 : index
    %get3A_20 = arith.constant 0 : index
    %get3A_21 = vector.load %arg6[%get3A_19, %get3A_20] : memref<128x1xf32, #tpu.memory_space<vmem>>, vector<128x1xf32>
    %sub3A_22 = arith.subf %get3A_17, %max3A : vector<128x1xf32>
    %exp3A_23 = math.exp %sub3A_22 : vector<128x1xf32>
    %mul3A_24 = arith.mulf %get3A_21, %exp3A_23 : vector<128x1xf32>
    %reduce_sum3A = arith.constant dense<0.000000e+00> : vector<128xf32>
    %reduce_sum3A_25 = vector.multi_reduction <add>, %exp3A, %reduce_sum3A [1] : vector<128x8192xf32> to vector<128xf32>
    %broadcast_in_dim3A_26 = vector.shape_cast %reduce_sum3A_25 : vector<128xf32> to vector<128x1xf32>
    %add3A_27 = arith.addf %mul3A_24, %broadcast_in_dim3A_26 : vector<128x1xf32>
    %swap3A = arith.constant 0 : index
    %swap3A_28 = arith.constant 0 : index
    %swap3A_29 = vector.load %arg6[%swap3A, %swap3A_28] : memref<128x1xf32, #tpu.memory_space<vmem>>, vector<128x1xf32>
    tpu.vector_store %arg6[%swap3A, %swap3A_28], %add3A_27 {strides = array<i32>} : memref<128x1xf32, #tpu.memory_space<vmem>>, vector<128x1xf32>,
    %swap3A_30 = arith.constant 0 : index
    %swap3A_31 = arith.constant 0 : index
    %swap3A_32 = vector.load %arg5[%swap3A_30, %swap3A_31] : memref<128x1xf32, #tpu.memory_space<vmem>>, vector<128x1xf32>
    tpu.vector_store %arg5[%swap3A_30, %swap3A_31], %max3A {strides = array<i32>} : memref<128x1xf32, #tpu.memory_space<vmem>>, vector<128x1xf32>,
    %get3A_33 = arith.constant 0 : index
    %get3A_34 = arith.constant 0 : index
    %get3A_35 = vector.load %arg2[%get3A_33, %get3A_34] : memref<128x1xi32, #tpu.memory_space<vmem>>, vector<128x1xi32>
    %eq3A_36 = vector.broadcast %get3A_35 : vector<128x1xi32> to vector<128x8192xi32>
    %eq3A_37 = arith.cmpi eq, %add3A_7, %eq3A_36 : vector<128x8192xi32>
    %get3A_38 = arith.constant 0 : index
    %get3A_39 = arith.constant 0 : index
    %get3A_40 = vector.load %arg7[%get3A_38, %get3A_39] : memref<128x1xf32, #tpu.memory_space<vmem>>, vector<128x1xf32>
    %jit3A_41 = arith.constant 0.000000e+00 : f32
    %broadcast_in_dim3A_42 = vector.broadcast %jit3A_41 : f32 to vector<128x8192xf32>
    %select_n3A_43 = arith.select %eq3A_37, %cond3A_13, %broadcast_in_dim3A_42 : vector<128x8192xi1>, vector<128x8192xf32>
    %reduce_sum3A_44 = arith.constant dense<0.000000e+00> : vector<128xf32>
    %reduce_sum3A_45 = vector.multi_reduction <add>, %select_n3A_43, %reduce_sum3A_44 [1] : vector<128x8192xf32> to vector<128xf32>
    %broadcast_in_dim3A_46 = vector.shape_cast %reduce_sum3A_45 : vector<128xf32> to vector<128x1xf32>
    %add3A_47 = arith.addf %get3A_40, %broadcast_in_dim3A_46 : vector<128x1xf32>
    %swap3A_48 = arith.constant 0 : index
    %swap3A_49 = arith.constant 0 : index
    %swap3A_50 = vector.load %arg7[%swap3A_48, %swap3A_49] : memref<128x1xf32, #tpu.memory_space<vmem>>, vector<128x1xf32>
    tpu.vector_store %arg7[%swap3A_48, %swap3A_49], %add3A_47 {strides = array<i32>} : memref<128x1xf32, #tpu.memory_space<vmem>>, vector<128x1xf32>,
    %slice3A = vector.extract_strided_slice %cond3A_13 {offsets = [0, 0], sizes = [128, 4096], strides = [1, 1]} : vector<128x8192xf32> to vector<128x4096xf32>
    %slice3A_51 = vector.extract_strided_slice %cond3A_13 {offsets = [0, 4096], sizes = [128, 4096], strides = [1, 1]} : vector<128x8192xf32> to vector<128x4096xf32>
    %max3A_52 = arith.maximumf %slice3A, %slice3A_51 : vector<128x4096xf32>
    %slice3A_53 = vector.extract_strided_slice %max3A_52 {offsets = [0, 0], sizes = [128, 2048], strides = [1, 1]} : vector<128x4096xf32> to vector<128x2048xf32>
    %slice3A_54 = vector.extract_strided_slice %max3A_52 {offsets = [0, 2048], sizes = [128, 2048], strides = [1, 1]} : vector<128x4096xf32> to vector<128x2048xf32>
    %max3A_55 = arith.maximumf %slice3A_53, %slice3A_54 : vector<128x2048xf32>
    %slice3A_56 = vector.extract_strided_slice %max3A_55 {offsets = [0, 0], sizes = [128, 1024], strides = [1, 1]} : vector<128x2048xf32> to vector<128x1024xf32>
    %slice3A_57 = vector.extract_strided_slice %max3A_55 {offsets = [0, 1024], sizes = [128, 1024], strides = [1, 1]} : vector<128x2048xf32> to vector<128x1024xf32>
    %max3A_58 = arith.maximumf %slice3A_56, %slice3A_57 : vector<128x1024xf32>
    %slice3A_59 = vector.extract_strided_slice %max3A_58 {offsets = [0, 0], sizes = [128, 512], strides = [1, 1]} : vector<128x1024xf32> to vector<128x512xf32>
    %slice3A_60 = vector.extract_strided_slice %max3A_58 {offsets = [0, 512], sizes = [128, 512], strides = [1, 1]} : vector<128x1024xf32> to vector<128x512xf32>
    %max3A_61 = arith.maximumf %slice3A_59, %slice3A_60 : vector<128x512xf32>
    %slice3A_62 = vector.extract_strided_slice %max3A_61 {offsets = [0, 0], sizes = [128, 256], strides = [1, 1]} : vector<128x512xf32> to vector<128x256xf32>
    %slice3A_63 = vector.extract_strided_slice %max3A_61 {offsets = [0, 256], sizes = [128, 256], strides = [1, 1]} : vector<128x512xf32> to vector<128x256xf32>
    %max3A_64 = arith.maximumf %slice3A_62, %slice3A_63 : vector<128x256xf32>
    %slice3A_65 = vector.extract_strided_slice %max3A_64 {offsets = [0, 0], sizes = [128, 128], strides = [1, 1]} : vector<128x256xf32> to vector<128x128xf32>
    %slice3A_66 = vector.extract_strided_slice %max3A_64 {offsets = [0, 128], sizes = [128, 128], strides = [1, 1]} : vector<128x256xf32> to vector<128x128xf32>
    %max3A_67 = arith.maximumf %slice3A_65, %slice3A_66 : vector<128x128xf32>
    %reduce_max3A_68 = arith.constant dense<0xFF800000> : vector<128xf32>
    %reduce_max3A_69 = vector.multi_reduction <maximumf>, %max3A_67, %reduce_max3A_68 [1] : vector<128x128xf32> to vector<128xf32>
    %broadcast_in_dim3A_70 = vector.shape_cast %reduce_max3A_69 : vector<128xf32> to vector<128x1xf32>
    %ge3A = vector.broadcast %broadcast_in_dim3A_70 : vector<128x1xf32> to vector<128x128xf32>
    %ge3A_71 = arith.cmpf oge, %max3A_67, %ge3A : vector<128x128xf32>
    %jit3A_72 = arith.constant 0xFF800000 : f32
    %broadcast_in_dim3A_73 = vector.broadcast %jit3A_72 : f32 to vector<128x128xf32>
    %select_n3A_74 = arith.select %ge3A_71, %broadcast_in_dim3A_73, %max3A_67 : vector<128x128xi1>, vector<128x128xf32>
    %reduce_max3A_75 = arith.constant dense<0xFF800000> : vector<128xf32>
    %reduce_max3A_76 = vector.multi_reduction <maximumf>, %select_n3A_74, %reduce_max3A_75 [1] : vector<128x128xf32> to vector<128xf32>
    %broadcast_in_dim3A_77 = vector.shape_cast %reduce_max3A_76 : vector<128xf32> to vector<128x1xf32>
    %ge3A_78 = vector.broadcast %broadcast_in_dim3A_77 : vector<128x1xf32> to vector<128x128xf32>
    %ge3A_79 = arith.cmpf oge, %select_n3A_74, %ge3A_78 : vector<128x128xf32>
    %jit3A_80 = arith.constant 0xFF800000 : f32
    %broadcast_in_dim3A_81 = vector.broadcast %jit3A_80 : f32 to vector<128x128xf32>
    %select_n3A_82 = arith.select %ge3A_79, %broadcast_in_dim3A_81, %select_n3A_74 : vector<128x128xi1>, vector<128x128xf32>
    %reduce_max3A_83 = arith.constant dense<0xFF800000> : vector<128xf32>
    %reduce_max3A_84 = vector.multi_reduction <maximumf>, %select_n3A_82, %reduce_max3A_83 [1] : vector<128x128xf32> to vector<128xf32>
    %broadcast_in_dim3A_85 = vector.shape_cast %reduce_max3A_84 : vector<128xf32> to vector<128x1xf32>
    %ge3A_86 = vector.broadcast %broadcast_in_dim3A_85 : vector<128x1xf32> to vector<128x128xf32>
    %ge3A_87 = arith.cmpf oge, %select_n3A_82, %ge3A_86 : vector<128x128xf32>
    %jit3A_88 = arith.constant 0xFF800000 : f32
    %broadcast_in_dim3A_89 = vector.broadcast %jit3A_88 : f32 to vector<128x128xf32>
    %select_n3A_90 = arith.select %ge3A_87, %broadcast_in_dim3A_89, %select_n3A_82 : vector<128x128xi1>, vector<128x128xf32>
    %reduce_max3A_91 = arith.constant dense<0xFF800000> : vector<128xf32>
    %reduce_max3A_92 = vector.multi_reduction <maximumf>, %select_n3A_90, %reduce_max3A_91 [1] : vector<128x128xf32> to vector<128xf32>
    %broadcast_in_dim3A_93 = vector.shape_cast %reduce_max3A_92 : vector<128xf32> to vector<128x1xf32>
    %ge3A_94 = vector.broadcast %broadcast_in_dim3A_93 : vector<128x1xf32> to vector<128x128xf32>
    %ge3A_95 = arith.cmpf oge, %select_n3A_90, %ge3A_94 : vector<128x128xf32>
    %jit3A_96 = arith.constant 0xFF800000 : f32
    %broadcast_in_dim3A_97 = vector.broadcast %jit3A_96 : f32 to vector<128x128xf32>
    %select_n3A_98 = arith.select %ge3A_95, %broadcast_in_dim3A_97, %select_n3A_90 : vector<128x128xi1>, vector<128x128xf32>
    %reduce_max3A_99 = arith.constant dense<0xFF800000> : vector<128xf32>
    %reduce_max3A_100 = vector.multi_reduction <maximumf>, %select_n3A_98, %reduce_max3A_99 [1] : vector<128x128xf32> to vector<128xf32>
    %broadcast_in_dim3A_101 = vector.shape_cast %reduce_max3A_100 : vector<128xf32> to vector<128x1xf32>
    %get3A_102 = arith.constant 0 : index
    %get3A_103 = arith.constant 0 : index
    %get3A_104 = vector.load %arg8[%get3A_102, %get3A_103] : memref<128x8xf32, #tpu.memory_space<vmem>>, vector<128x8xf32>
    %concatenate3A = tpu.concatenate %broadcast_in_dim3A_70, %broadcast_in_dim3A_77, %broadcast_in_dim3A_85, %broadcast_in_dim3A_93, %broadcast_in_dim3A_101, %get3A_104 in 1 : vector<128x1xf32>, vector<128x1xf32>, vector<128x1xf32>, vector<128x1xf32>, vector<128x1xf32>, vector<128x8xf32> -> vector<128x13xf32>
    %reduce_max3A_105 = arith.constant dense<0xFF800000> : vector<128xf32>
    %reduce_max3A_106 = vector.multi_reduction <maximumf>, %concatenate3A, %reduce_max3A_105 [1] : vector<128x13xf32> to vector<128xf32>
    %broadcast_in_dim3A_107 = vector.shape_cast %reduce_max3A_106 : vector<128xf32> to vector<128x1xf32>
    %ge3A_108 = vector.broadcast %broadcast_in_dim3A_107 : vector<128x1xf32> to vector<128x13xf32>
    %ge3A_109 = arith.cmpf oge, %concatenate3A, %ge3A_108 : vector<128x13xf32>
    %jit3A_110 = arith.constant 0xFF800000 : f32
    %broadcast_in_dim3A_111 = vector.broadcast %jit3A_110 : f32 to vector<128x13xf32>
    %select_n3A_112 = arith.select %ge3A_109, %broadcast_in_dim3A_111, %concatenate3A : vector<128x13xi1>, vector<128x13xf32>
    %reduce_max3A_113 = arith.constant dense<0xFF800000> : vector<128xf32>
    %reduce_max3A_114 = vector.multi_reduction <maximumf>, %select_n3A_112, %reduce_max3A_113 [1] : vector<128x13xf32> to vector<128xf32>
    %broadcast_in_dim3A_115 = vector.shape_cast %reduce_max3A_114 : vector<128xf32> to vector<128x1xf32>
    %ge3A_116 = vector.broadcast %broadcast_in_dim3A_115 : vector<128x1xf32> to vector<128x13xf32>
    %ge3A_117 = arith.cmpf oge, %select_n3A_112, %ge3A_116 : vector<128x13xf32>
    %jit3A_118 = arith.constant 0xFF800000 : f32
    %broadcast_in_dim3A_119 = vector.broadcast %jit3A_118 : f32 to vector<128x13xf32>
    %select_n3A_120 = arith.select %ge3A_117, %broadcast_in_dim3A_119, %select_n3A_112 : vector<128x13xi1>, vector<128x13xf32>
    %reduce_max3A_121 = arith.constant dense<0xFF800000> : vector<128xf32>
    %reduce_max3A_122 = vector.multi_reduction <maximumf>, %select_n3A_120, %reduce_max3A_121 [1] : vector<128x13xf32> to vector<128xf32>
    %broadcast_in_dim3A_123 = vector.shape_cast %reduce_max3A_122 : vector<128xf32> to vector<128x1xf32>
    %ge3A_124 = vector.broadcast %broadcast_in_dim3A_123 : vector<128x1xf32> to vector<128x13xf32>
    %ge3A_125 = arith.cmpf oge, %select_n3A_120, %ge3A_124 : vector<128x13xf32>
    %jit3A_126 = arith.constant 0xFF800000 : f32
    %broadcast_in_dim3A_127 = vector.broadcast %jit3A_126 : f32 to vector<128x13xf32>
    %select_n3A_128 = arith.select %ge3A_125, %broadcast_in_dim3A_127, %select_n3A_120 : vector<128x13xi1>, vector<128x13xf32>
    %reduce_max3A_129 = arith.constant dense<0xFF800000> : vector<128xf32>
    %reduce_max3A_130 = vector.multi_reduction <maximumf>, %select_n3A_128, %reduce_max3A_129 [1] : vector<128x13xf32> to vector<128xf32>
    %broadcast_in_dim3A_131 = vector.shape_cast %reduce_max3A_130 : vector<128xf32> to vector<128x1xf32>
    %ge3A_132 = vector.broadcast %broadcast_in_dim3A_131 : vector<128x1xf32> to vector<128x13xf32>
    %ge3A_133 = arith.cmpf oge, %select_n3A_128, %ge3A_132 : vector<128x13xf32>
    %jit3A_134 = arith.constant 0xFF800000 : f32
    %broadcast_in_dim3A_135 = vector.broadcast %jit3A_134 : f32 to vector<128x13xf32>
    %select_n3A_136 = arith.select %ge3A_133, %broadcast_in_dim3A_135, %select_n3A_128 : vector<128x13xi1>, vector<128x13xf32>
    %reduce_max3A_137 = arith.constant dense<0xFF800000> : vector<128xf32>
    %reduce_max3A_138 = vector.multi_reduction <maximumf>, %select_n3A_136, %reduce_max3A_137 [1] : vector<128x13xf32> to vector<128xf32>
    %broadcast_in_dim3A_139 = vector.shape_cast %reduce_max3A_138 : vector<128xf32> to vector<128x1xf32>
    %broadcast_in_dim3A_140 = arith.constant 0xFF800000 : f32
    %broadcast_in_dim3A_141 = vector.broadcast %broadcast_in_dim3A_140 : f32 to vector<128x3xf32>
    %concatenate3A_142 = tpu.concatenate %broadcast_in_dim3A_107, %broadcast_in_dim3A_115, %broadcast_in_dim3A_123, %broadcast_in_dim3A_131, %broadcast_in_dim3A_139, %broadcast_in_dim3A_141 in 1 : vector<128x1xf32>, vector<128x1xf32>, vector<128x1xf32>, vector<128x1xf32>, vector<128x1xf32>, vector<128x3xf32> -> vector<128x8xf32>
    %swap3A_143 = arith.constant 0 : index
    %swap3A_144 = arith.constant 0 : index
    %swap3A_145 = vector.load %arg8[%swap3A_143, %swap3A_144] : memref<128x8xf32, #tpu.memory_space<vmem>>, vector<128x8xf32>
    tpu.vector_store %arg8[%swap3A_143, %swap3A_144], %concatenate3A_142 {strides = array<i32>} : memref<128x8xf32, #tpu.memory_space<vmem>>, vector<128x8xf32>,
    %eq3A_146 = arith.constant 9 : i32
    %eq3A_147 = arith.cmpi eq, %arg1, %eq3A_146 : i32
    %convert_element_type3A_148 = arith.extui %eq3A_147 : i1 to i32
    %cond3A_149 = arith.constant 0 : i32
    %cond3A_150 = arith.cmpi ne, %convert_element_type3A_148, %cond3A_149 : i32
    scf.if %cond3A_150 {
      %get3A_151 = arith.constant 0 : index
      %get3A_152 = arith.constant 0 : index
      %get3A_153 = vector.load %arg6[%get3A_151, %get3A_152] : memref<128x1xf32, #tpu.memory_space<vmem>>, vector<128x1xf32>
      %slice3A_154 = vector.extract_strided_slice %concatenate3A_142 {offsets = [0, 0], sizes = [128, 5], strides = [1, 1]} : vector<128x8xf32> to vector<128x5xf32>
      %get3A_155 = arith.constant 0 : index
      %get3A_156 = arith.constant 0 : index
      %get3A_157 = vector.load %arg7[%get3A_155, %get3A_156] : memref<128x1xf32, #tpu.memory_space<vmem>>, vector<128x1xf32>
      %concatenate3A_158 = tpu.concatenate %max3A, %get3A_153, %slice3A_154, %get3A_157 in 1 : vector<128x1xf32>, vector<128x1xf32>, vector<128x5xf32>, vector<128x1xf32> -> vector<128x8xf32>
      %swap3A_159 = arith.constant 0 : index
      %swap3A_160 = arith.constant 0 : index
      %swap3A_161 = vector.load %arg4[%swap3A_159, %swap3A_160] : memref<128x8xf32, #tpu.memory_space<vmem>>, vector<128x8xf32>
      tpu.vector_store %arg4[%swap3A_159, %swap3A_160], %concatenate3A_158 {strides = array<i32>} : memref<128x8xf32, #tpu.memory_space<vmem>>, vector<128x8xf32>,
    } else {
    }
    return
  }
  func.func @transform_0(%arg0: i32, %arg1: i32) -> (i32, i32) {
    %c0_i32 = arith.constant 0 : i32
    %c0_i32_0 = arith.constant 0 : i32
    return %arg0, %c0_i32 : i32, i32
  }
  func.func @transform_1(%arg0: i32, %arg1: i32) -> (i32, i32) {
    %eq3A = arith.constant 9 : i32
    %eq3A_0 = arith.cmpi eq, %arg1, %eq3A : i32
    %jit3A = arith.constant 12 : i32
    %select_n3A = arith.select %eq3A_0, %jit3A, %arg1 : i32
    %c0_i32 = arith.constant 0 : i32
    return %arg0, %select_n3A : i32, i32
  }
  func.func @transform_2(%arg0: i32, %arg1: i32) -> (i32, i32) {
    %c0_i32 = arith.constant 0 : i32
    %c0_i32_0 = arith.constant 0 : i32
    return %arg0, %c0_i32 : i32, i32
  }
}

module attributes {stable_mosaic.version = 14 : i64} {
  func.func @_merge_body(%arg0: i32, %arg1: memref<256x8xf32, #tpu.memory_space<vmem>>, %arg2: memref<256x16xf32, #tpu.memory_space<vmem>>, %arg3: memref<256x16xf32, #tpu.memory_space<vmem>>, %arg4: memref<256x16xf32, #tpu.memory_space<vmem>>, %arg5: memref<256x1xf32, #tpu.memory_space<vmem>>) attributes {dimension_semantics = [#tpu.dimension_semantics<arbitrary>], iteration_bounds = array<i64: 16>, scalar_prefetch = 0 : i64, scratch_operands = 0 : i64, tpu.core_type = #tpu.core_type<tc>, window_params = [{transform_indices = @transform_0, window_bounds = array<i64: 256, 8>}, {transform_indices = @transform_1, window_bounds = array<i64: 256, 16>}, {transform_indices = @transform_2, window_bounds = array<i64: 256, 16>}, {transform_indices = @transform_3, window_bounds = array<i64: 256, 16>}, {transform_indices = @transform_4, window_bounds = array<i64: 256, 1>}]} {
    %get3A = arith.constant 0 : index
    %get3A_0 = arith.constant 0 : index
    %get3A_1 = vector.load %arg1[%get3A, %get3A_0] : memref<256x8xf32, #tpu.memory_space<vmem>>, vector<256x8xf32>
    %get3A_2 = arith.constant 0 : index
    %get3A_3 = arith.constant 0 : index
    %get3A_4 = vector.load %arg2[%get3A_2, %get3A_3] : memref<256x16xf32, #tpu.memory_space<vmem>>, vector<256x16xf32>
    %get3A_5 = arith.constant 0 : index
    %get3A_6 = arith.constant 0 : index
    %get3A_7 = vector.load %arg3[%get3A_5, %get3A_6] : memref<256x16xf32, #tpu.memory_space<vmem>>, vector<256x16xf32>
    %slice3A = vector.extract_strided_slice %get3A_1 {offsets = [0, 0], sizes = [256, 1], strides = [1, 1]} : vector<256x8xf32> to vector<256x1xf32>
    %slice3A_8 = vector.extract_strided_slice %get3A_1 {offsets = [0, 1], sizes = [256, 1], strides = [1, 1]} : vector<256x8xf32> to vector<256x1xf32>
    %slice3A_9 = vector.extract_strided_slice %get3A_1 {offsets = [0, 7], sizes = [256, 1], strides = [1, 1]} : vector<256x8xf32> to vector<256x1xf32>
    %get3A_10 = arith.constant 0 : index
    %get3A_11 = arith.constant 0 : index
    %get3A_12 = vector.load %arg4[%get3A_10, %get3A_11] : memref<256x16xf32, #tpu.memory_space<vmem>>, vector<256x16xf32>
    %reduce_sum3A = arith.constant dense<0.000000e+00> : vector<256xf32>
    %reduce_sum3A_13 = vector.multi_reduction <add>, %get3A_12, %reduce_sum3A [1] : vector<256x16xf32> to vector<256xf32>
    %broadcast_in_dim3A = vector.shape_cast %reduce_sum3A_13 : vector<256xf32> to vector<256x1xf32>
    %add3A = arith.addf %slice3A_9, %broadcast_in_dim3A : vector<256x1xf32>
    %reduce_max3A = arith.constant dense<0xFF800000> : vector<256xf32>
    %reduce_max3A_14 = vector.multi_reduction <maximumf>, %get3A_4, %reduce_max3A [1] : vector<256x16xf32> to vector<256xf32>
    %broadcast_in_dim3A_15 = vector.shape_cast %reduce_max3A_14 : vector<256xf32> to vector<256x1xf32>
    %sub3A = vector.broadcast %broadcast_in_dim3A_15 : vector<256x1xf32> to vector<256x16xf32>
    %sub3A_16 = arith.subf %get3A_4, %sub3A : vector<256x16xf32>
    %exp3A = math.exp %sub3A_16 : vector<256x16xf32>
    %mul3A = arith.mulf %get3A_7, %exp3A : vector<256x16xf32>
    %reduce_sum3A_17 = arith.constant dense<0.000000e+00> : vector<256xf32>
    %reduce_sum3A_18 = vector.multi_reduction <add>, %mul3A, %reduce_sum3A_17 [1] : vector<256x16xf32> to vector<256xf32>
    %broadcast_in_dim3A_19 = vector.shape_cast %reduce_sum3A_18 : vector<256xf32> to vector<256x1xf32>
    %max3A = arith.maximumf %slice3A, %broadcast_in_dim3A_15 : vector<256x1xf32>
    %sub3A_20 = arith.subf %slice3A, %max3A : vector<256x1xf32>
    %exp3A_21 = math.exp %sub3A_20 : vector<256x1xf32>
    %mul3A_22 = arith.mulf %slice3A_8, %exp3A_21 : vector<256x1xf32>
    %sub3A_23 = arith.subf %broadcast_in_dim3A_15, %max3A : vector<256x1xf32>
    %exp3A_24 = math.exp %sub3A_23 : vector<256x1xf32>
    %mul3A_25 = arith.mulf %broadcast_in_dim3A_19, %exp3A_24 : vector<256x1xf32>
    %add3A_26 = arith.addf %mul3A_22, %mul3A_25 : vector<256x1xf32>
    %log3A = math.log %add3A_26 : vector<256x1xf32>
    %add3A_27 = arith.addf %max3A, %log3A : vector<256x1xf32>
    %slice3A_28 = vector.extract_strided_slice %get3A_1 {offsets = [0, 2], sizes = [256, 5], strides = [1, 1]} : vector<256x8xf32> to vector<256x5xf32>
    %concatenate3A = tpu.concatenate %slice3A_28, %get3A_4 in 1 : vector<256x5xf32>, vector<256x16xf32> -> vector<256x21xf32>
    %broadcast_in_dim3A_29 = arith.constant 0.000000e+00 : f32
    %broadcast_in_dim3A_30 = vector.broadcast %broadcast_in_dim3A_29 : f32 to vector<256x1xf32>
    %reduce_max3A_31 = arith.constant dense<0xFF800000> : vector<256xf32>
    %reduce_max3A_32 = vector.multi_reduction <maximumf>, %concatenate3A, %reduce_max3A_31 [1] : vector<256x21xf32> to vector<256xf32>
    %broadcast_in_dim3A_33 = vector.shape_cast %reduce_max3A_32 : vector<256xf32> to vector<256x1xf32>
    %add3A_34 = arith.addf %broadcast_in_dim3A_30, %broadcast_in_dim3A_33 : vector<256x1xf32>
    %ge3A = vector.broadcast %broadcast_in_dim3A_33 : vector<256x1xf32> to vector<256x21xf32>
    %ge3A_35 = arith.cmpf oge, %concatenate3A, %ge3A : vector<256x21xf32>
    %jit3A = arith.constant 0xFF800000 : f32
    %broadcast_in_dim3A_36 = vector.broadcast %jit3A : f32 to vector<256x21xf32>
    %select_n3A = arith.select %ge3A_35, %broadcast_in_dim3A_36, %concatenate3A : vector<256x21xi1>, vector<256x21xf32>
    %reduce_max3A_37 = arith.constant dense<0xFF800000> : vector<256xf32>
    %reduce_max3A_38 = vector.multi_reduction <maximumf>, %select_n3A, %reduce_max3A_37 [1] : vector<256x21xf32> to vector<256xf32>
    %broadcast_in_dim3A_39 = vector.shape_cast %reduce_max3A_38 : vector<256xf32> to vector<256x1xf32>
    %add3A_40 = arith.addf %add3A_34, %broadcast_in_dim3A_39 : vector<256x1xf32>
    %ge3A_41 = vector.broadcast %broadcast_in_dim3A_39 : vector<256x1xf32> to vector<256x21xf32>
    %ge3A_42 = arith.cmpf oge, %select_n3A, %ge3A_41 : vector<256x21xf32>
    %jit3A_43 = arith.constant 0xFF800000 : f32
    %broadcast_in_dim3A_44 = vector.broadcast %jit3A_43 : f32 to vector<256x21xf32>
    %select_n3A_45 = arith.select %ge3A_42, %broadcast_in_dim3A_44, %select_n3A : vector<256x21xi1>, vector<256x21xf32>
    %reduce_max3A_46 = arith.constant dense<0xFF800000> : vector<256xf32>
    %reduce_max3A_47 = vector.multi_reduction <maximumf>, %select_n3A_45, %reduce_max3A_46 [1] : vector<256x21xf32> to vector<256xf32>
    %broadcast_in_dim3A_48 = vector.shape_cast %reduce_max3A_47 : vector<256xf32> to vector<256x1xf32>
    %add3A_49 = arith.addf %add3A_40, %broadcast_in_dim3A_48 : vector<256x1xf32>
    %ge3A_50 = vector.broadcast %broadcast_in_dim3A_48 : vector<256x1xf32> to vector<256x21xf32>
    %ge3A_51 = arith.cmpf oge, %select_n3A_45, %ge3A_50 : vector<256x21xf32>
    %jit3A_52 = arith.constant 0xFF800000 : f32
    %broadcast_in_dim3A_53 = vector.broadcast %jit3A_52 : f32 to vector<256x21xf32>
    %select_n3A_54 = arith.select %ge3A_51, %broadcast_in_dim3A_53, %select_n3A_45 : vector<256x21xi1>, vector<256x21xf32>
    %reduce_max3A_55 = arith.constant dense<0xFF800000> : vector<256xf32>
    %reduce_max3A_56 = vector.multi_reduction <maximumf>, %select_n3A_54, %reduce_max3A_55 [1] : vector<256x21xf32> to vector<256xf32>
    %broadcast_in_dim3A_57 = vector.shape_cast %reduce_max3A_56 : vector<256xf32> to vector<256x1xf32>
    %add3A_58 = arith.addf %add3A_49, %broadcast_in_dim3A_57 : vector<256x1xf32>
    %ge3A_59 = vector.broadcast %broadcast_in_dim3A_57 : vector<256x1xf32> to vector<256x21xf32>
    %ge3A_60 = arith.cmpf oge, %select_n3A_54, %ge3A_59 : vector<256x21xf32>
    %jit3A_61 = arith.constant 0xFF800000 : f32
    %broadcast_in_dim3A_62 = vector.broadcast %jit3A_61 : f32 to vector<256x21xf32>
    %select_n3A_63 = arith.select %ge3A_60, %broadcast_in_dim3A_62, %select_n3A_54 : vector<256x21xi1>, vector<256x21xf32>
    %reduce_max3A_64 = arith.constant dense<0xFF800000> : vector<256xf32>
    %reduce_max3A_65 = vector.multi_reduction <maximumf>, %select_n3A_63, %reduce_max3A_64 [1] : vector<256x21xf32> to vector<256xf32>
    %broadcast_in_dim3A_66 = vector.shape_cast %reduce_max3A_65 : vector<256xf32> to vector<256x1xf32>
    %add3A_67 = arith.addf %add3A_58, %broadcast_in_dim3A_66 : vector<256x1xf32>
    %mul3A_68 = arith.constant 0.899999976 : f32
    %mul3A_69 = vector.broadcast %mul3A_68 : f32 to vector<256x1xf32>
    %mul3A_70 = arith.mulf %mul3A_69, %add3A : vector<256x1xf32>
    %sub3A_71 = arith.subf %add3A_27, %mul3A_70 : vector<256x1xf32>
    %mul3A_72 = arith.constant 2.000000e-02 : f32
    %mul3A_73 = vector.broadcast %mul3A_72 : f32 to vector<256x1xf32>
    %mul3A_74 = arith.mulf %mul3A_73, %add3A_67 : vector<256x1xf32>
    %sub3A_75 = arith.subf %sub3A_71, %mul3A_74 : vector<256x1xf32>
    %swap3A = arith.constant 0 : index
    %swap3A_76 = arith.constant 0 : index
    %swap3A_77 = vector.load %arg5[%swap3A, %swap3A_76] : memref<256x1xf32, #tpu.memory_space<vmem>>, vector<256x1xf32>
    tpu.vector_store %arg5[%swap3A, %swap3A_76], %sub3A_75 {strides = array<i32>} : memref<256x1xf32, #tpu.memory_space<vmem>>, vector<256x1xf32>,
    return
  }
  func.func @transform_0(%arg0: i32) -> (i32, i32) {
    %c0_i32 = arith.constant 0 : i32
    %c0_i32_0 = arith.constant 0 : i32
    return %arg0, %c0_i32 : i32, i32
  }
  func.func @transform_1(%arg0: i32) -> (i32, i32) {
    %c0_i32 = arith.constant 0 : i32
    %c0_i32_0 = arith.constant 0 : i32
    return %arg0, %c0_i32 : i32, i32
  }
  func.func @transform_2(%arg0: i32) -> (i32, i32) {
    %c0_i32 = arith.constant 0 : i32
    %c0_i32_0 = arith.constant 0 : i32
    return %arg0, %c0_i32 : i32, i32
  }
  func.func @transform_3(%arg0: i32) -> (i32, i32) {
    %c0_i32 = arith.constant 0 : i32
    %c0_i32_0 = arith.constant 0 : i32
    return %arg0, %c0_i32 : i32, i32
  }
  func.func @transform_4(%arg0: i32) -> (i32, i32) {
    %c0_i32 = arith.constant 0 : i32
    %c0_i32_0 = arith.constant 0 : i32
    return %arg0, %c0_i32 : i32, i32
  }
}

</mosaic_0001>

<sc_bundles>
// kernel: kernel.5.cloned.1.call-start
scs
__scs_entry_jumppad:
0x0: {  	(pc) =	sbr.rel $0x88, $3  }
0x1: {  	(tag) =	ssettag $0x0;
	lr =	simm.s32 $0x1  }
0x2: {  	[smem:$0x3F9F] =	sst lr;
	_ =	strace $0xD0000000  }
0x3: {  	_ = 	snop  }
0x4: {  	_ = 	snop  }
0x5: {  	_ = 	snop  }
0x6: {  	_ = 	snop  }
0x7: {  	_ = 	snop  }
__scs_overlays_trampoline_lowered:
0x8: {  	[smem:$0x3FAE] =	sst s0  }
0x9: {  	[smem:$0x3FAF] =	sst s1  }
0xa: {  	[smem:$0x3FB0] =	sst s2  }
0xb: {  	[smem:$0x3FB1] =	sst s3  }
0xc: {  	[smem:$0x3FB2] =	sst s4  }
0xd: {  	[smem:$0x3FB3] =	sst s5  }
0xe: {  	[smem:$0x3FB4] =	sst s6  }
0xf: {  	[smem:$0x3FB5] =	sst s7  }
0x10: {  	[smem:$0x3FB6] =	sst s8  }
0x11: {  	[smem:$0x3FB7] =	sst s9;
	s0 =	simm.s32 @!p0 $0x0  }
0x12: {  	s1 =	sld [smem:$0x3F9D];
	s0 =	simm.s32 @p0 $0x1  }
0x13: {  	[smem:$0x3FB8] =	sst s0;
	s0 =	simm.s32 @!p1 $0x0  }
0x14: {  	s2 =	sld [smem:$0x3F9C];
	s0 =	simm.s32 @p1 $0x1  }
0x15: {  	[smem:$0x3FB9] =	sst s0;
	s0 =	simm.s32 @!p2 $0x0  }
0x16: {  	s3 =	sld [smem:$0x3FDB];
	s0 =	simm.s32 @p2 $0x1  }
0x17: {  	s4 =	simm.s32 $0x1BF5;
	[smem:$0x3FBB] =	sst s0  }
0x18: {  	s0 =	sld [smem:$0x3F9E];
	_ =	swait.ge [sflag:s4], $0x0  }
0x19: {  	s7 =	sld [smem:$0x3F9F]  }
0x1a: {  	s8 =	sadd.s32 $0xFFFFE003, lr  }
0x1b: {  	s9 =	sadd.s32 $0xFFFFFEF7, lr;
	s5 =	simm.s32 $0xFFFFFFFF;
	p2 =	slt.u32 s8, $0xFFFFF086  }
0x1c: {  	p1 =	slt.u32 s9, $0xF7A;
	s5 =	simm.s32 @!p2 $0x0  }
0x1d: {  	s5 =	simm.s32 @p1 $0x1;
	p0 =	seq.s32 s7, s2  }
0x1e: {  	s7 =	smul.u32 @!p0 $0xF7A, s2;
	p2 =	seq.s32 @!p0 s5, $0x0  }
0x1f: {  	s9 =	smul.u32 $0xF7A, s1;
	s8 =	simm.s32 @!p0 $0x1BF5;
	p2 =	por !p2, p0  }
0x20: {  	[sflag:s8] =	ssyncset.s32 @!p0 $0xFFFFF086;
	s6 =	sadd.s32 @!p0 s3, s7;
	s7 =	simm.s32 @!p0 $0x108  }
0x21: {  	s3 =	sadd.s32 s3, s9;
	s6 =	sadd.s32 @!p0 $0x88, s6;
	s7 =	simm.s32 @p2 $0x1082  }
0x22: {  	[simem:s7], [sflag:s8] =	dma.local @!p0 [hbm:s6], $0xF7A  }
0x23: {  	s9 =	sor.u32 $0xD0000000, s2;
	s6 =	simm.s32 $0x108;
	_ =	swait.ge @!p0 [sflag:s8], $0x0  }
0x24: {  	s3 =	sadd.s32 $0x88, s3;
	s6 =	simm.s32 @!p1 $0x1082;
	[sflag:s4] =	ssyncset.s32 $0xFFFFF086  }
0x25: {  	[simem:s6], [sflag:s4] =	dma.local [hbm:s3], $0xF7A  }
0x26: {  	[smem:$0x3F9F] =	sst s1;
	(tag) =	ssettag s2;
	_ =	strace s9  }
0x27: {  	s1 =	sld [smem:$0x3FAF]  }
0x28: {  	s2 =	sld [smem:$0x3FB0]  }
0x29: {  	s4 =	sld [smem:$0x3FB2]  }
0x2a: {  	p0 =	seq.s32 s5, $0x0;
	s5 =	sld [smem:$0x3FB3]  }
0x2b: {  	s6 =	sld [smem:$0x3FB4]  }
0x2c: {  	s7 =	sld [smem:$0x3FB5]  }
0x2d: {  	s3 =	simm.s32 $0x108;
	s8 =	sld [smem:$0x3FB6]  }
0x2e: {  	s3 =	simm.s32 @!p0 $0x1082;
	s9 =	sld [smem:$0x3FB7]  }
0x2f: {  	lr =	sadd.s32 s0, s3;
	s0 =	sld [smem:$0x3FAE]  }
0x30: {  	s3 =	sld [smem:$0x3FB1]  }
0x31: {  	[smem:$0x3FBA] =	sst s10  }
0x32: {  	s10 =	sld [smem:$0x3FB8];
	_ =	sdelay $0x3  }
0x33: {  	p0 =	seq.s32 s10, $0x1;
	s10 =	sld [smem:$0x3FBA];
	_ =	sdelay $0x3  }
0x34: {  	[smem:$0x3FBA] =	sst s10  }
0x35: {  	s10 =	sld [smem:$0x3FB9];
	_ =	sdelay $0x3  }
0x36: {  	p1 =	seq.s32 s10, $0x1;
	s10 =	sld [smem:$0x3FBA];
	_ =	sdelay $0x3  }
0x37: {  	[smem:$0x3FBA] =	sst s10  }
0x38: {  	s10 =	sld [smem:$0x3FBB]  }
0x39: {  	_ = 	snop;
	(pc) =	sbr.ind lr, $3  }
0x3a: {  	_ = 	snop  }
0x3b: {  	_ = 	snop  }
0x3c: {  	p2 =	seq.s32 s10, $0x1;
	s10 =	sld [smem:$0x3FBA]  }
0x3d: {  	_ =	shalt  }
0x3e: {  	_ =	shalt  }
0x3f: {  	_ =	shalt  }
0x40: {  	_ =	shalt  }
0x41: {  	_ =	shalt  }
0x42: {  	_ =	shalt  }
0x43: {  	_ =	shalt  }
0x44: {  	_ =	shalt  }
0x45: {  	_ =	shalt  }
0x46: {  	_ =	shalt  }
0x47: {  	_ =	shalt  }
0x48: {  	_ =	shalt  }
0x49: {  	_ =	shalt  }
0x4a: {  	_ =	shalt  }
0x4b: {  	_ =	shalt  }
0x4c: {  	_ =	shalt  }
0x4d: {  	_ =	shalt  }
0x4e: {  	_ =	shalt  }
0x4f: {  	_ =	shalt  }
0x50: {  	_ =	shalt  }
0x51: {  	_ =	shalt  }
0x52: {  	_ =	shalt  }
0x53: {  	_ =	shalt  }
0x54: {  	_ =	shalt  }
0x55: {  	_ =	shalt  }
0x56: {  	_ =	shalt  }
0x57: {  	_ =	shalt  }
0x58: {  	_ =	shalt  }
0x59: {  	_ =	shalt  }
0x5a: {  	_ =	shalt  }
0x5b: {  	_ =	shalt  }
0x5c: {  	_ =	shalt  }
0x5d: {  	_ =	shalt  }
0x5e: {  	_ =	shalt  }
0x5f: {  	_ =	shalt  }
0x60: {  	_ =	shalt  }
0x61: {  	_ =	shalt  }
0x62: {  	_ =	shalt  }
0x63: {  	_ =	shalt  }
0x64: {  	_ =	shalt  }
0x65: {  	_ =	shalt  }
0x66: {  	_ =	shalt  }
0x67: {  	_ =	shalt  }
0x68: {  	_ =	shalt  }
0x69: {  	_ =	shalt  }
0x6a: {  	_ =	shalt  }
0x6b: {  	_ =	shalt  }
0x6c: {  	_ =	shalt  }
0x6d: {  	_ =	shalt  }
0x6e: {  	_ =	shalt  }
0x6f: {  	_ =	shalt  }
0x70: {  	_ =	shalt  }
0x71: {  	_ =	shalt  }
0x72: {  	_ =	shalt  }
0x73: {  	_ =	shalt  }
0x74: {  	_ =	shalt  }
0x75: {  	_ =	shalt  }
0x76: {  	_ =	shalt  }
0x77: {  	_ =	shalt  }
0x78: {  	_ =	shalt  }
0x79: {  	_ =	shalt  }
0x7a: {  	_ =	shalt  }
0x7b: {  	_ =	shalt  }
0x7c: {  	_ =	shalt  }
0x7d: {  	_ =	shalt  }
0x7e: {  	_ =	shalt  }
0x7f: {  	_ =	shalt  }
0x80: {  	_ =	shalt  }
0x81: {  	_ =	shalt  }
0x82: {  	_ =	shalt  }
0x83: {  	_ =	shalt  }
0x84: {  	_ =	shalt  }
0x85: {  	_ =	shalt  }
0x86: {  	_ =	shalt  }
0x87: {  	_ =	shalt  }
.Lfunc_end0:
.L_simem_size_0:
called_computation_lowered:
.L_overlay_start_0:
0x88: {  	s2 =	sld [smem:$0x3FD9]  }
0x89: {  	s3 =	sld [smem:$0x3FFE];
	_ =	sdelay $0x1  }
0x8a: {  	s1 =	srdreg.scid  }
0x8b: {  	s0 =	sand.u32 $0x1, s1  }
0x8c: {  	s17 =	sshll.u32 s0, $0xA;
	s2 =	sadd.s32 s3, s2  }
0x8d: {  	s2 =	sadd.s32 s2, s17  }
0x8e: {  	[smem:$0x3FC6] =	sst s2  }
0x8f: {  	_ = 	snop  }
0x90: {  	s2 =	sld [smem:$0x3FC8];
	(tm) =	ssettm $0x1  }
0x91: {  	s18 =	sld [smem:$0x3FFB];
	_ =	sdelay $0x3  }
0x92: {  	_ =	strace s18  }
0x93: {  	s3 =	sld [smem:$0x3FFC];
	_ =	sdelay $0x3  }
0x94: {  	_ =	strace s3  }
0x95: {  	s3 =	sld [smem:$0x3FFD];
	_ =	sdelay $0x3  }
0x96: {  	_ =	strace s3  }
0x97: {  	_ =	strace $0x8FFFFFFF  }
0x98: {  	s19 =	sld [smem:$0x3FDB];
	_ =	sdelay $0x1  }
0x99: {  	s4 =	simm.s32 $_scs_section_size  }
0x9a: {  	s5 =	simm.s32 $_size__tile_overlayer_lowered;
	s6 =	simm.s32 $_tile_overlayer_lowered  }
0x9b: {  	s22 =	simm.s32 $0x1BFF;
	s21 =	sshll.u32 s6, $0x1;
	s3 =	sadd.s32 s4, s19  }
0x9c: {  	s7 =	simm.s32 $0x0;
	s20 =	sshll.u32 s5, $0x1;
	s5 =	sadd.s32 s21, s3  }
0x9d: {  	[timem:s7], [sflag:s22] =	dma.local [hbm:s5], s20  }
0x9e: {  	_ =	swait.ge [sflag:s22], s20  }
0x9f: {  	s4 =	ssub.s32 $0x0, s20;
	[sflag:s22] =	ssyncset.done $0x0  }
0xa0: {  	[sflag:s22] =	ssyncadd.s32 s4;
	_ =	sdelay $0x1  }
0xa1: {  	s23 =	simm.s32 $0x1B8B  }
0xa2: {  	_ =	swait.ge [sflag:s23], $0x1  }
0xa3: {  	[sflag:s23] =	ssyncset.done $0x0  }
0xa4: {  	s25 =	simm.s32 $0x1B8E;
	s24 =	sld [smem:$0x3FFE];
	[sflag:s23] =	ssyncadd.s32 $0xFFFFFFFF  }
0xa5: {  	s26 =	simm.s32 $execute0_lowered;
	[smem:$0x3FD2] =	sst s25  }
0xa6: {  	s5 =	sshll.u32 s26, $0x1;
	_ =	strace $0x80000046;
	[dreg:$0x1] =	wrdreg $0xFFFFFFFF  }
0xa7: {  	s28 =	simm.s32 $_size_execute0_lowered;
	s3 =	sadd.s32 s3, s5;
	[dreg:$0x0] =	wrdreg $0x0  }
0xa8: {  	s5 =	sshll.u32 s28, $0x1;
	[dreg:$0x2] =	wrdreg s3  }
0xa9: {  	[dreg:$0x3] =	wrdreg s5  }
0xaa: {  	[dreg:$0x4] =	wrdreg $0xC0  }
0xab: {  	_ =	task [dreg:s7], $0x5FFFF  }
0xac: {  	[dreg:$0x1] =	wrdreg $0xFFFFFFFF  }
0xad: {  	[dreg:$0x0] =	wrdreg $0x60  }
0xae: {  	[dreg:$0x2] =	wrdreg s24  }
0xaf: {  	[dreg:$0x3] =	wrdreg s2  }
0xb0: {  	[dreg:$0x4] =	wrdreg $0x9  }
0xb1: {  	_ =	task.clear_ibuf [dreg:s7], $0x5FFFF;
	_ =	strace $0x90000046  }
0xb2: {  	s29 =	simm.s32 $0x9;
	_ =	strace $0x80000048  }
0xb3: {  	_ =	swait.ge [sflag:s29], $0x1  }
0xb4: {  	[sflag:s29] =	ssyncadd.s32 $0xFFFFFFFF  }
0xb5: {  	_ =	strace $0x90000048  }
0xb6: {  	_ =	sfence  }
0xb7: {  	s30 =	sld [smem:$0x0];
	_ =	sdelay $0x2  }
0xb8: {  	s31 =	sshll.u32 s1, $0xD;
	s1 =	sshrl.u32 s1, $0x2  }
0xb9: {  	s3 =	sand.u32 $0x4000, s31;
	s1 =	sadd.s32 s1, s30  }
0xba: {  	s0 =	sor.u32 s3, s0;
	s1 =	sshll.u32 s1, $0x11  }
0xbb: {  	s0 =	sor.u32 s1, s0  }
0xbc: {  	s0 =	sadd.s32 $0x8F2B, s0  }
0xbd: {  	[sflag:s0] =	ssyncadd.remote.s32 $0x1  }
0xbe: {  	_ =	sfence.sel $0xFFFF  }
0xbf: {  	[dreg:$0x0] =	wrdreg $0xFFFFFFFF;
	(pc) =	sbr.abs _section_cstart, $3  }
0xc0: {  	[dreg:$0x1] =	wrdreg $0xFFFFFFFF  }
0xc1: {  	_ =	task.clear_ibuf [dreg:s7], $0x2FFFF;
	_ =	strace $0x9FFFFFFF  }
0xc2: {  	(tm) =	ssettm $0x7FFFFFFF  }
0xc3: {  	_ =	shalt  }
tec
execute0_lowered:
.L_overlay_start_1:
0x0: {  	(tag) =	ssettag $0x1  }
0x1: {  	s0 =	srdreg.scid;
	s1 =	rddreg [dreg:$0x0]  }
0x2: {  	s2 =	stileid.u32;
	s8 =	rddreg [dreg:$0x1]  }
0x3: {  	s13 =	simm.s32 $0x3;
	s14 =	simm.s32 $0x4000;
	s15 =	simm.s32 $0x30000  }
0x4: {  	s16 =	simm.s32 $0x8000;
	s17 =	simm.s32 $0x1;
	s18 =	simm.s32 $0x2  }
0x5: {  	s0 =	sand.u32 $0x1, s0;
	s3 =	sshll.u32 s2, $0x8;
	s2 =	simm.s32 $0x0  }
0x6: {  	s22 =	simm.s32 $0x0;
	s4 =	sshll.u32 s0, $0x7;
	[smem:$0x7FF] =	sst s2  }
0x7: {  	s0 =	ssub.s32 $0x2, s0;
	s3 =	sor.u32 s4, s3;
	_ =	strace $0x80000047  }
.Ltmp0:
0x8: {  	s4 =	sadd.s32 $0x30E0C00, s1;
	s9 =	sshrl.u32 s3, $0x3;
	(pc) =	sbr.rel .LBB2_1-.Ltmp0, $4  }
0x9: {  	s31 =	sshrl.u32 s0, $0x1;
	s6 =	sshll.u32 s3, $0x4;
	s5 =	smul.u32 $0x6000, s9  }
0xa: {  	s0 =	ssub.s32 s0, s31;
	s1 =	sadd.s32 s6, s1;
	s8 =	sadd.s32 s8, s9  }
0xb: {  	s7 =	sadd.s32 $0x3CE0C00, s1;
	s9 =	sadd.s32 $0x3CF0C00, s1;
	s5 =	sadd.s32 s4, s5  }
0xc: {  	v0 =	vimm.f32 $-Inf;
	v1 =	vimm.f32 $0.0e+00;
	v2 =	vlaneseq.u32;
	s11 =	smax.u32 s0, $0x1;
	s10 =	sadd.s32 $0x3D00C00, s1;
	s6 =	sadd.s32 $0x800, s5  }
.LBB2_18:
0xd: {  	s0 =	simm.s32 $0x10000  }
0xe: {  	[hbm4b:s7+s2] =	stream.linear.scatter [tilespmem:s0], [sflag:$0x3], $0x4000, $0x38;
	[tilespmem:$0x1C100] =	vst v63  }
0xf: {  	_ =	swait.ge [sflag:s13], $0x4000  }
0x10: {  	[sflag:s13] =	ssyncset.done $0x0  }
0x11: {  	s30 =	simm.s32 $0x14000;
	[sflag:s13] =	ssyncadd.s32 $0xFFFFC000  }
0x12: {  	[hbm4b:s9+s2] =	stream.linear.scatter [tilespmem:s30], [sflag:$0x3], $0x4000, $0x38;
	[tilespmem:$0x1C100] =	vst v63  }
0x13: {  	s22 =	sadd.s32 $0x1, s22;
	_ =	swait.ge [sflag:s13], $0x4000  }
0x14: {  	p0 =	sne.s32 s22, s11;
	[sflag:s13] =	ssyncset.done $0x0  }
.Ltmp1:
0x15: {  	s31 =	simm.s32 $0x18000;
	[sflag:s13] =	ssyncadd.s32 $0xFFFFC000;
	(pc) =	sbr.rel @!p0 .LBB2_19-.Ltmp1, $4  }
0x16: {  	[hbm4b:s10+s2] =	stream.linear.scatter [tilespmem:s31], [sflag:$0x3], $0x4000, $0x38;
	[tilespmem:$0x1C100] =	vst v63  }
0x17: {  	_ =	swait.ge [sflag:s13], $0x4000  }
0x18: {  	[sflag:s13] =	ssyncset.done $0x0  }
0x19: {  	[sflag:s13] =	ssyncadd.s32 $0xFFFFC000  }
.LBB2_1:
0x1a: {  	s0 =	simm.s32 $0x1C000  }
0x1b: {  	[tilespmem:s0], [sflag:$0x3] =	stream.linear.gather [hbm4b:s8+s2], $0x80, $0x38;
	[tilespmem:$0x1C100] =	vst v63  }
0x1c: {  	_ =	swait.ge [sflag:s13], $0x80  }
0x1d: {  	[sflag:s13] =	ssyncset.done $0x0  }
0x1e: {  	[sflag:s13] =	ssyncadd.s32 $0xFFFFFF80  }
0x1f: {  	[tilespmem:s2], [sflag:$0x1] =	stream.strided.gather [hbm4b:s5+s14], $0x8000, s15, s14, $0x38;
	[tilespmem:$0x1C100] =	vst v63  }
0x20: {  	s1 =	simm.s32 $0x0;
	s0 =	simm.s32 $0x200  }
0x21: {  	[tilespmem:s16], [sflag:$0x2] =	stream.strided.gather [hbm4b:s6+s14], $0x8000, s15, s14, $0x38;
	[tilespmem:$0x1C100] =	vst v63  }
.LBB2_2:
0x22: {  	p0 =	sne.s32 s0, $0xFE00;
	[tilespmem:s1+$0x18000] =	vst v1;
	s12 =	smov.u32 s0;
	s0 =	sadd.s32 $0x200, s0  }
.Ltmp2:
0x23: {  	[tilespmem:s1+$0x10000] =	vst v0;
	(pc) =	sbr.rel @p0 .LBB2_2-.Ltmp2, $2  }
0x24: {  	[tilespmem:s1+$0x14000] =	vst v1;
	_ =	sdelay $0x2  }
0x25: {  	s1 =	sshra.s32 s12, $0x2  }
0x26: {  	[tilespmem:s1+$0x18000] =	vst v1  }
0x27: {  	[tilespmem:s1+$0x10000] =	vst v0  }
0x28: {  	s23 =	simm.s32 $0x0;
	[tilespmem:s1+$0x14000] =	vst v1  }
.LBB2_4:
0x29: {  	s0 =	smul.u32 $0x156, s23;
	_ =	sdelay $0x1  }
0x2a: {  	s0 =	sshrl.u32 s0, $0xB  }
0x2b: {  	s0 =	sand.u32 $0x1F, s0  }
0x2c: {  	s24 =	sshll.u32 s23, $0x1;
	s0 =	smul.u32 $0xC, s0  }
0x2d: {  	s1 =	smul.u32 $0xAB, s23;
	_ =	swait.ge [sflag:s17], $0x8000;
	s28 =	simm.s32 $0x0  }
0x2e: {  	s29 =	simm.s32 $0x0;
	s30 =	simm.s32 $0x0;
	s0 =	ssub.s32 s24, s0  }
0x2f: {  	[sflag:s17] =	ssyncset.done $0x0;
	s1 =	sshrl.u32 s1, $0x6;
	s0 =	sand.u32 $0xFE, s0  }
0x30: {  	[sflag:s17] =	ssyncadd.s32 $0xFFFF8000;
	s25 =	sand.u32 $0xF0, s1;
	s26 =	sshll.u32 s0, $0xB  }
.LBB2_5:
0x31: {  	s0 =	sshll.u32 s29, $0x2;
	s1 =	sand.u32 $0x7, s28  }
0x32: {  	s0 =	sand.u32 $0xFFFF0000, s0;
	s1 =	sshll.u32 s1, $0x9  }
0x33: {  	s0 =	sor.u32 s1, s0  }
0x34: {  	s0 =	sshrl.u32 s0, $0x2  }
0x35: {  	s0 =	sor.u32 $0x40, s0  }
0x36: {  	s12 =	sor.u32 s25, s30;
	v4 =	vmov s0  }
0x37: {  	s31 =	sshll.u32 s12, $0x7  }
0x38: {  	v7 =	vld [tilespmem:s31+$0x10000]  }
0x39: {  	v6 =	vld [tilespmem:s31+$0x14000]  }
0x3a: {  	s21 =	simm.s32 $0x0;
	v3 =	vld [tilespmem:s31+$0x18000]  }
0x3b: {  	v11 =	vld.idx.msk [tilespmem:v4+s21+$0xFFFFFFC0 ss:$0x1], $0xffff  }
0x3c: {  	v12 =	vld.idx.msk [tilespmem:v4+s21+$0xFFFFFFD0 ss:$0x1], $0xffff  }
0x3d: {  	v10 =	vld.idx.msk [tilespmem:v4+s21+$0xFFFFFFE0 ss:$0x1], $0xffff  }
0x3e: {  	v8 =	vld.idx.msk [tilespmem:v4+s21+$0xFFFFFFF0 ss:$0x1], $0xffff  }
0x3f: {  	v5 =	vld.idx.msk [tilespmem:v4+s21+$0x0 ss:$0x1], $0xffff  }
0x40: {  	s19 =	sshll.u32 s30, $0xB;
	v13 =	vimm.f32 $-Inf;
	v9 =	vld.idx.msk [tilespmem:v4+s21+$0x10 ss:$0x1], $0xffff  }
0x41: {  	s20 =	sshll.u32 s30, $0x7;
	s1 =	sand.u32 $0x4000, s19;
	v13 =	vmax.f32 v13, v11;
	v11 =	vld.idx.msk [tilespmem:v4+s21+$0x20 ss:$0x1], $0xffff  }
0x42: {  	s19 =	simm.s32 $0x400;
	s0 =	sand.u32 $0x380, s20;
	s20 =	simm.s32 $0x2000;
	v13 =	vmax.f32 v13, v12;
	v12 =	vld.idx.msk [tilespmem:v4+s21+$0x30 ss:$0x1], $0xffff  }
.LBB2_6:
0x43: {  	p0 =	sne.s32 s20, $0xF000;
	v14 =	vld.idx.msk [tilespmem:v4+s19+$0xFFFFFFC0 ss:$0x1], $0xffff;
	v10 =	vmax.f32 v13, v10  }
0x44: {  	v13 =	vld.idx.msk [tilespmem:v4+s19+$0xFFFFFFD0 ss:$0x1], $0xffff;
	v8 =	vmax.f32 v10, v8  }
0x45: {  	v10 =	vld.idx.msk [tilespmem:v4+s19+$0xFFFFFFE0 ss:$0x1], $0xffff;
	v5 =	vmax.f32 v8, v5  }
.Ltmp3:
0x46: {  	v8 =	vld.idx.msk [tilespmem:v4+s19+$0xFFFFFFF0 ss:$0x1], $0xffff;
	v9 =	vmax.f32 v5, v9;
	(pc) =	sbr.rel @p0 .LBB2_6-.Ltmp3, $4  }
0x47: {  	v5 =	vld.idx.msk [tilespmem:v4+s19+$0x0 ss:$0x1], $0xffff;
	v11 =	vmax.f32 v9, v11  }
0x48: {  	v9 =	vld.idx.msk [tilespmem:v4+s19+$0x10 ss:$0x1], $0xffff;
	v11 =	vmax.f32 v11, v12  }
0x49: {  	v12 =	vmax.f32 v11, v14;
	v11 =	vld.idx.msk [tilespmem:v4+s19+$0x20 ss:$0x1], $0xffff  }
0x4a: {  	v13 =	vmax.f32 v12, v13;
	v12 =	vld.idx.msk [tilespmem:v4+s19+$0x30 ss:$0x1], $0xffff;
	s19 =	sshra.s32 s20, $0x2;
	s20 =	sadd.s32 $0x1000, s20  }
0x4b: {  	_ =	sdelay $0x2  }
0x4c: {  	v10 =	vmax.f32 v13, v10  }
0x4d: {  	v13 =	vld.idx.msk [tilespmem:v4+s19+$0xFFFFFFC0 ss:$0x1], $0xffff;
	v8 =	vmax.f32 v10, v8  }
0x4e: {  	v10 =	vld.idx.msk [tilespmem:v4+s19+$0xFFFFFFD0 ss:$0x1], $0xffff;
	v5 =	vmax.f32 v8, v5  }
0x4f: {  	v8 =	vld.idx.msk [tilespmem:v4+s19+$0xFFFFFFE0 ss:$0x1], $0xffff;
	v5 =	vmax.f32 v5, v9  }
0x50: {  	v9 =	vld.idx.msk [tilespmem:v4+s19+$0xFFFFFFF0 ss:$0x1], $0xffff;
	v5 =	vmax.f32 v5, v11  }
0x51: {  	v11 =	vld.idx.msk [tilespmem:v4+s19+$0x0 ss:$0x1], $0xffff;
	v5 =	vmax.f32 v5, v12  }
0x52: {  	v12 =	vld.idx.msk [tilespmem:v4+s19+$0x10 ss:$0x1], $0xffff;
	v5 =	vmax.f32 v5, v13  }
0x53: {  	v13 =	vld.idx.msk [tilespmem:v4+s19+$0x20 ss:$0x1], $0xffff;
	v5 =	vmax.f32 v5, v10  }
0x54: {  	v10 =	vld.idx.msk [tilespmem:v4+s19+$0x30 ss:$0x1], $0xffff;
	v5 =	vmax.f32 v5, v8  }
0x55: {  	v5 =	vmax.f32 v5, v9  }
0x56: {  	v5 =	vmax.f32 v5, v11  }
0x57: {  	v5 =	vmax.f32 v5, v12  }
0x58: {  	v5 =	vmax.f32 v5, v13  }
0x59: {  	s20 =	simm.s32 $0x0;
	v5 =	vmax.f32 v5, v10  }
0x5a: {  	v8 =	vld.idx.msk [tilespmem:v4+s20+$0xFFFFFFC0 ss:$0x1], $0xffff;
	v5 =	vmax.f32 v7, v5  }
0x5b: {  	v7 =	vsub.f32 v7, v5  }
0x5c: {  	v9 =	vld.idx.msk [tilespmem:v4+s20+$0xFFFFFFD0 ss:$0x1], $0xffff  }
0x5d: {  	v10 =	vld.idx.msk [tilespmem:v4+s20+$0xFFFFFFE0 ss:$0x1], $0xffff;
	v7 =	vmul.f32 $1.442695020e+00, v7;
	_ =	sdelay $0x1  }
0x5e: {  	v8 =	vsub.f32 v8, v5;
	(erf) = vpow2.f32 v7;
	_ =	sdelay $0x1  }
0x5f: {  	v9 =	vsub.f32 v9, v5;
	v8 =	vmul.f32 $1.442695020e+00, v8;
	v7 =	vld.idx.msk [tilespmem:v4+s20+$0xFFFFFFF0 ss:$0x1], $0xffff  }
0x60: {  	v11 =	vld.idx.msk [tilespmem:v4+s20+$0x0 ss:$0x1], $0xffff;
	v10 =	vsub.f32 v10, v5  }
0x61: {  	v9 =	vmul.f32 $1.442695020e+00, v9;
	(erf) = vpow2.f32 v8  }
0x62: {  	v10 =	vmul.f32 $1.442695020e+00, v10  }
0x63: {  	v8 =	vld.idx.msk [tilespmem:v4+s20+$0x10 ss:$0x1], $0xffff;
	(erf) = vpow2.f32 v9  }
0x64: {  	v7 =	vsub.f32 v7, v5  }
0x65: {  	v12 =	vld.idx.msk [tilespmem:v4+s20+$0x20 ss:$0x1], $0xffff;
	v9 =	vsub.f32 v11, v5;
	(erf) = vpow2.f32 v10  }
0x66: {  	v7 =	vmul.f32 $1.442695020e+00, v7;
	v10 =	vpop (erf)  }
0x67: {  	v9 =	vmul.f32 $1.442695020e+00, v9;
	v6 =	vmul.f32 v10, v6;
	v10 =	vld.idx.msk [tilespmem:v4+s20+$0x30 ss:$0x1], $0xffff  }
0x68: {  	s21 =	simm.s32 $0x400;
	v8 =	vsub.f32 v8, v5;
	(erf) = vpow2.f32 v7  }
0x69: {  	(erf) = vpow2.f32 v9;
	v9 =	vld.idx.msk [tilespmem:v4+s21+$0xFFFFFFC0 ss:$0x1], $0xffff  }
0x6a: {  	v8 =	vmul.f32 $1.442695020e+00, v8;
	v7 =	vsub.f32 v12, v5;
	v12 =	vld.idx.msk [tilespmem:v4+s21+$0xFFFFFFD0 ss:$0x1], $0xffff;
	v11 =	vpop (erf)  }
0x6b: {  	v6 =	vadd.f32 v11, v6  }
0x6c: {  	v7 =	vmul.f32 $1.442695020e+00, v7;
	(erf) = vpow2.f32 v8;
	v8 =	vld.idx.msk [tilespmem:v4+s21+$0xFFFFFFE0 ss:$0x1], $0xffff;
	v11 =	vpop (erf);
	v10 =	vsub.f32 v10, v5  }
0x6d: {  	v6 =	vadd.f32 v11, v6  }
0x6e: {  	(erf) = vpow2.f32 v7;
	v11 =	vpop (erf);
	v9 =	vsub.f32 v9, v5;
	v10 =	vmul.f32 $1.442695020e+00, v10  }
0x6f: {  	v7 =	vld.idx.msk [tilespmem:v4+s21+$0xFFFFFFF0 ss:$0x1], $0xffff;
	v6 =	vadd.f32 v11, v6;
	v11 =	vsub.f32 v12, v5  }
0x70: {  	v13 =	vld.idx.msk [tilespmem:v4+s21+$0x0 ss:$0x1], $0xffff;
	v9 =	vmul.f32 $1.442695020e+00, v9;
	(erf) = vpow2.f32 v10  }
0x71: {  	v8 =	vsub.f32 v8, v5;
	v12 =	vpop (erf);
	v10 =	vmul.f32 $1.442695020e+00, v11  }
0x72: {  	v14 =	vld.idx.msk [tilespmem:v4+s21+$0x10 ss:$0x1], $0xffff;
	v6 =	vadd.f32 v12, v6;
	(erf) = vpow2.f32 v9  }
0x73: {  	v8 =	vmul.f32 $1.442695020e+00, v8;
	v12 =	vpop (erf)  }
0x74: {  	v11 =	vsub.f32 v7, v5;
	v7 =	vld.idx.msk [tilespmem:v4+s21+$0x20 ss:$0x1], $0xffff;
	v12 =	vadd.f32 v12, v6;
	(erf) = vpow2.f32 v10  }
0x75: {  	v9 =	vsub.f32 v13, v5;
	v10 =	vpop (erf)  }
0x76: {  	s19 =	simm.s32 $0x800;
	v6 =	vld.idx.msk [tilespmem:v4+s21+$0x30 ss:$0x1], $0xffff;
	v11 =	vmul.f32 $1.442695020e+00, v11;
	(erf) = vpow2.f32 v8;
	v12 =	vadd.f32 v10, v12  }
0x77: {  	s20 =	simm.s32 $0x3000;
	v8 =	vld.idx.msk [tilespmem:v4+s19+$0xFFFFFFC0 ss:$0x1], $0xffff;
	v10 =	vsub.f32 v14, v5;
	v13 =	vpop (erf)  }
.LBB2_8:
0x78: {  	p0 =	sne.s32 s20, $0xF000;
	v9 =	vmul.f32 $1.442695020e+00, v9;
	(erf) = vpow2.f32 v11;
	v11 =	vadd.f32 v13, v12  }
0x79: {  	v7 =	vsub.f32 v7, v5;
	v12 =	vld.idx.msk [tilespmem:v4+s19+$0xFFFFFFD0 ss:$0x1], $0xffff;
	v13 =	vpop (erf)  }
0x7a: {  	v10 =	vmul.f32 $1.442695020e+00, v10;
	(erf) = vpow2.f32 v9;
	v9 =	vadd.f32 v13, v11  }
0x7b: {  	v6 =	vsub.f32 v6, v5;
	v11 =	vld.idx.msk [tilespmem:v4+s19+$0xFFFFFFE0 ss:$0x1], $0xffff;
	v13 =	vpop (erf)  }
0x7c: {  	v7 =	vmul.f32 $1.442695020e+00, v7;
	v9 =	vadd.f32 v13, v9;
	(erf) = vpow2.f32 v10  }
0x7d: {  	v8 =	vsub.f32 v8, v5;
	v10 =	vld.idx.msk [tilespmem:v4+s19+$0xFFFFFFF0 ss:$0x1], $0xffff;
	v13 =	vpop (erf)  }
0x7e: {  	v6 =	vmul.f32 $1.442695020e+00, v6;
	v9 =	vadd.f32 v13, v9;
	(erf) = vpow2.f32 v7  }
0x7f: {  	v7 =	vsub.f32 v12, v5;
	v12 =	vld.idx.msk [tilespmem:v4+s19+$0x0 ss:$0x1], $0xffff;
	v13 =	vpop (erf)  }
0x80: {  	v8 =	vmul.f32 $1.442695020e+00, v8;
	v15 =	vadd.f32 v13, v9;
	(erf) = vpow2.f32 v6  }
0x81: {  	v6 =	vsub.f32 v11, v5;
	v13 =	vld.idx.msk [tilespmem:v4+s19+$0x10 ss:$0x1], $0xffff;
	v11 =	vpop (erf)  }
0x82: {  	v14 =	vmul.f32 $1.442695020e+00, v7;
	(erf) = vpow2.f32 v8;
	v8 =	vadd.f32 v11, v15  }
.Ltmp4:
0x83: {  	v10 =	vsub.f32 v10, v5;
	v7 =	vld.idx.msk [tilespmem:v4+s19+$0x20 ss:$0x1], $0xffff;
	v9 =	vpop (erf);
	(pc) =	sbr.rel @p0 .LBB2_8-.Ltmp4, $4  }
0x84: {  	v15 =	vmul.f32 $1.442695020e+00, v6;
	(erf) = vpow2.f32 v14;
	v8 =	vadd.f32 v9, v8  }
0x85: {  	v9 =	vsub.f32 v12, v5;
	v6 =	vld.idx.msk [tilespmem:v4+s19+$0x30 ss:$0x1], $0xffff;
	v12 =	vpop (erf)  }
0x86: {  	v11 =	vmul.f32 $1.442695020e+00, v10;
	s19 =	sshra.s32 s20, $0x2;
	(erf) = vpow2.f32 v15;
	v12 =	vadd.f32 v12, v8  }
0x87: {  	s20 =	sadd.s32 $0x1000, s20;
	v10 =	vsub.f32 v13, v5;
	v8 =	vld.idx.msk [tilespmem:v4+s19+$0xFFFFFFC0 ss:$0x1], $0xffff;
	v13 =	vpop (erf)  }
0x88: {  	v14 =	vld [tilespmem:s12+$0x1C000];
	_ =	sdelay $0x4  }
0x89: {  	(v2sf) =	vpush v14, $0x0;
	_ =	sdelay $0x3  }
0x8a: {  	v9 =	vmul.f32 $1.442695020e+00, v9;
	(erf) = vpow2.f32 v11;
	v26 =	vadd.f32 v13, v12  }
0x8b: {  	v7 =	vsub.f32 v7, v5;
	v27 =	vpop (erf)  }
0x8c: {  	v28 =	vld.idx.msk [tilespmem:v4+s19+$0xFFFFFFD0 ss:$0x1], $0xffff;
	v10 =	vmul.f32 $1.442695020e+00, v10;
	(erf) = vpow2.f32 v9;
	v29 =	vadd.f32 v27, v26  }
0x8d: {  	v6 =	vsub.f32 v6, v5;
	v30 =	vpop (erf)  }
0x8e: {  	v31 =	vld.idx.msk [tilespmem:v4+s19+$0xFFFFFFE0 ss:$0x1], $0xffff;
	v7 =	vmul.f32 $1.442695020e+00, v7;
	(erf) = vpow2.f32 v10;
	v9 =	vadd.f32 v30, v29  }
0x8f: {  	v8 =	vsub.f32 v8, v5;
	v32 =	vpop (erf)  }
0x90: {  	v33 =	vld.idx.msk [tilespmem:v4+s19+$0xFFFFFFF0 ss:$0x1], $0xffff;
	v6 =	vmul.f32 $1.442695020e+00, v6;
	(erf) = vpow2.f32 v7;
	v9 =	vadd.f32 v32, v9  }
0x91: {  	v34 =	vsub.f32 v28, v5;
	v35 =	vpop (erf)  }
0x92: {  	v36 =	vld.idx.msk [tilespmem:v4+s19+$0x0 ss:$0x1], $0xffff;
	v8 =	vmul.f32 $1.442695020e+00, v8;
	(erf) = vpow2.f32 v6;
	v9 =	vadd.f32 v35, v9  }
0x93: {  	v37 =	vsub.f32 v31, v5;
	v38 =	vpop (erf)  }
0x94: {  	v39 =	vld.idx.msk [tilespmem:v4+s19+$0x10 ss:$0x1], $0xffff;
	v7 =	vmul.f32 $1.442695020e+00, v34;
	(erf) = vpow2.f32 v8;
	v40 =	vadd.f32 v38, v9  }
0x95: {  	v41 =	vsub.f32 v33, v5;
	v42 =	vpop (erf);
	s20 =	spop (v2sf)  }
0x96: {  	v43 =	vld.idx.msk [tilespmem:v4+s19+$0x20 ss:$0x1], $0xffff;
	v6 =	vmul.f32 $1.442695020e+00, v37;
	(erf) = vpow2.f32 v7;
	v44 =	vadd.f32 v42, v40;
	s12 =	ssub.s32 s20, s26  }
0x97: {  	v45 =	vsub.f32 v36, v5;
	v46 =	vpop (erf);
	s12 =	sadd.s32 $0xFFFEE000, s12  }
0x98: {  	v47 =	vld.idx.msk [tilespmem:v4+s19+$0x30 ss:$0x1], $0xffff;
	v9 =	vmul.f32 $1.442695020e+00, v41;
	(erf) = vpow2.f32 v6;
	v48 =	vadd.f32 v46, v44;
	p0 =	sgt.s32 s12, $0x0;
	s19 =	smov.u32 s12  }
0x99: {  	v49 =	vsub.f32 v39, v5;
	v50 =	vpop (erf);
	s19 =	simm.s32 @!p0 $0x0  }
0x9a: {  	v8 =	vmul.f32 $1.442695020e+00, v45;
	(erf) = vpow2.f32 v9;
	v6 =	vadd.f32 v50, v48;
	s20 =	sand.u32 $0xF, s19  }
0x9b: {  	v51 =	vsub.f32 v43, v5;
	v52 =	vpop (erf);
	p6 =	slt.s32 s12, $0x1;
	p1 =	sne.s32 s20, $0x0  }
0x9c: {  	v7 =	vmul.f32 $1.442695020e+00, v49;
	(erf) = vpow2.f32 v8;
	v6 =	vadd.f32 v52, v6;
	p0 =	por !p6, !p1  }
0x9d: {  	v4 =	vsub.f32 v47, v5;
	v53 =	vpop (erf);
	s20 =	simm.s32 $0xFFFFFFFF;
	p0 =	por !p0, !p0  }
0x9e: {  	v54 =	vmul.f32 $1.442695020e+00, v51;
	(erf) = vpow2.f32 v7;
	v6 =	vadd.f32 v53, v6;
	s20 =	simm.s32 @!p0 $0x0  }
0x9f: {  	v55 =	vpop (erf);
	s20 =	sshll.u32 s20, $0x4  }
0xa0: {  	v4 =	vmul.f32 $1.442695020e+00, v4;
	(erf) = vpow2.f32 v54;
	v6 =	vadd.f32 v55, v6;
	s19 =	sadd.s32 s19, s20  }
0xa1: {  	v56 =	vpop (erf);
	s19 =	sand.u32 $0xFFFFFFF0, s19  }
0xa2: {  	(erf) = vpow2.f32 v4;
	v6 =	vadd.f32 v56, v6;
	p0 =	slt.s32 s19, $0x7F0  }
0xa3: {  	v57 =	vpop (erf);
	s19 =	simm.s32 @!p0 $0x7F0  }
0xa4: {  	v4 =	vadd.f32 v57, v6;
	s21 =	sshll.u32 s19, $0x3  }
0xa5: {  	v58 =	vpop (erf);
	s20 =	sand.u32 $0xFFFFFC00, s21  }
0xa6: {  	v4 =	vadd.f32 v58, v4;
	s1 =	sadd.s32 s20, s1  }
0xa7: {  	v59 =	vpop (erf);
	s21 =	sand.u32 $0x70, s19;
	s0 =	sadd.s32 s0, s1  }
0xa8: {  	v4 =	vadd.f32 v59, v4;
	s0 =	sadd.s32 s21, s0  }
0xa9: {  	s30 =	sadd.s32 $0x1, s30;
	v60 =	vpop (erf);
	p0 =	slt.u32 s12, $0x800;
	v61 =	vld [tilespmem:s0+$0x0];
	s0 =	ssub.s32 s12, s19  }
0xaa: {  	v4 =	vadd.f32 v60, v4;
	s0 =	simm.s32 @!p0 $0xFFFFFFFF;
	p0 =	sne.s32 s30, $0x10  }
.Ltmp5:
0xab: {  	v62 =	vpop (erf);
	(pc) =	sbr.rel @p0 .LBB2_5-.Ltmp5, $4  }
0xac: {  	v4 =	vadd.f32 v62, v4;
	v63 =	vmov s0  }
0xad: {  	[tilespmem:s31+$0x10000] =	vst v5;
	vm0 =	veq.s32 v63, v2  }
0xae: {  	[tilespmem:s31+$0x14000] =	vst v4;
	v3 =	vsel vm0, v61, v3  }
0xaf: {  	s29 =	sadd.s32 $0x800, s29;
	s28 =	sadd.s32 $0x1, s28;
	[tilespmem:s31+$0x18000] =	vst v3  }
0xb0: {  	p0 =	seq.s32 s23, $0x2F  }
0xb1: {  	s0 =	sadd.s32 @!p0 $0x2, s24  }
0xb2: {  	s1 =	smulhi.u32 @!p0 $0x2AAAAAAB, s0;
	_ =	sdelay $0x1  }
0xb3: {  	s1 =	sshrl.u32 @!p0 s1, $0x1  }
0xb4: {  	s12 =	sshll.u32 @!p0 s1, $0x4  }
0xb5: {  	s1 =	smul.u32 @!p0 $0xC, s1;
	s12 =	sadd.s32 @!p0 s3, s12  }
0xb6: {  	s12 =	sshrl.u32 @!p0 s12, $0x3  }
0xb7: {  	s0 =	ssub.s32 @!p0 s0, s1;
	s12 =	smul.u32 @!p0 $0x30000, s12  }
0xb8: {  	s26 =	sor.u32 $0x1, s24;
	s0 =	sshll.u32 @!p0 s0, $0xE  }
0xb9: {  	s21 =	smulhi.u32 $0x2AAAAAAB, s26;
	s0 =	sadd.s32 @!p0 s0, s12  }
0xba: {  	s19 =	simm.s32 @!p0 $0x30000;
	s20 =	simm.s32 @!p0 $0x0;
	s0 =	sshrl.u32 @!p0 s0, $0x3  }
0xbb: {  	s31 =	sshrl.u32 s21, $0x1;
	s1 =	simm.s32 @!p0 $0x4000;
	s0 =	sadd.s32 @!p0 s4, s0  }
0xbc: {  	[tilespmem:s20], [sflag:$0x1] =	stream.strided.gather @!p0 [hbm4b:s0+s1], $0x8000, s19, s1, $0x38;
	[tilespmem:$0x1C100] =	vst v63  }
0xbd: {  	s0 =	smul.u32 $0xC, s31  }
0xbe: {  	s28 =	simm.s32 $0x0;
	_ =	swait.ge [sflag:s18], $0x8000  }
0xbf: {  	s29 =	simm.s32 $0x0;
	s0 =	ssub.s32 s26, s0;
	[sflag:s18] =	ssyncset.done $0x0  }
0xc0: {  	s30 =	simm.s32 $0x0;
	[sflag:s18] =	ssyncadd.s32 $0xFFFF8000;
	s26 =	sshll.u32 s0, $0xB  }
.LBB2_11:
0xc1: {  	s0 =	sshll.u32 s29, $0x2;
	s1 =	sand.u32 $0x7, s28  }
0xc2: {  	s0 =	sand.u32 $0xFFFF0000, s0;
	s1 =	sshll.u32 s1, $0x9  }
0xc3: {  	s0 =	sor.u32 s1, s0  }
0xc4: {  	s0 =	sshrl.u32 s0, $0x2  }
0xc5: {  	s0 =	sadd.s32 $0x8040, s0  }
0xc6: {  	s12 =	sor.u32 s25, s30;
	v4 =	vmov s0  }
0xc7: {  	s31 =	sshll.u32 s12, $0x7  }
0xc8: {  	v7 =	vld [tilespmem:s31+$0x10000]  }
0xc9: {  	v6 =	vld [tilespmem:s31+$0x14000]  }
0xca: {  	s21 =	simm.s32 $0x0;
	v3 =	vld [tilespmem:s31+$0x18000]  }
0xcb: {  	v11 =	vld.idx.msk [tilespmem:v4+s21+$0xFFFFFFC0 ss:$0x1], $0xffff  }
0xcc: {  	v12 =	vld.idx.msk [tilespmem:v4+s21+$0xFFFFFFD0 ss:$0x1], $0xffff  }
0xcd: {  	v9 =	vld.idx.msk [tilespmem:v4+s21+$0xFFFFFFE0 ss:$0x1], $0xffff  }
0xce: {  	v8 =	vld.idx.msk [tilespmem:v4+s21+$0xFFFFFFF0 ss:$0x1], $0xffff  }
0xcf: {  	v5 =	vld.idx.msk [tilespmem:v4+s21+$0x0 ss:$0x1], $0xffff  }
0xd0: {  	s19 =	sshll.u32 s30, $0xB;
	s20 =	sshll.u32 s30, $0x7;
	v13 =	vimm.f32 $-Inf;
	v10 =	vld.idx.msk [tilespmem:v4+s21+$0x10 ss:$0x1], $0xffff  }
0xd1: {  	s1 =	sand.u32 $0x380, s20;
	s0 =	sand.u32 $0x4000, s19;
	v13 =	vmax.f32 v13, v11;
	v11 =	vld.idx.msk [tilespmem:v4+s21+$0x20 ss:$0x1], $0xffff  }
0xd2: {  	s20 =	simm.s32 $0x2000;
	s19 =	simm.s32 $0x400;
	s0 =	sor.u32 $0x8000, s0;
	v13 =	vmax.f32 v13, v12;
	v12 =	vld.idx.msk [tilespmem:v4+s21+$0x30 ss:$0x1], $0xffff  }
.LBB2_12:
0xd3: {  	p1 =	sne.s32 s20, $0xF000;
	v14 =	vld.idx.msk [tilespmem:v4+s19+$0xFFFFFFC0 ss:$0x1], $0xffff;
	v9 =	vmax.f32 v13, v9  }
0xd4: {  	v13 =	vld.idx.msk [tilespmem:v4+s19+$0xFFFFFFD0 ss:$0x1], $0xffff;
	v8 =	vmax.f32 v9, v8  }
0xd5: {  	v9 =	vld.idx.msk [tilespmem:v4+s19+$0xFFFFFFE0 ss:$0x1], $0xffff;
	v5 =	vmax.f32 v8, v5  }
.Ltmp6:
0xd6: {  	v8 =	vld.idx.msk [tilespmem:v4+s19+$0xFFFFFFF0 ss:$0x1], $0xffff;
	v10 =	vmax.f32 v5, v10;
	(pc) =	sbr.rel @p1 .LBB2_12-.Ltmp6, $4  }
0xd7: {  	v5 =	vld.idx.msk [tilespmem:v4+s19+$0x0 ss:$0x1], $0xffff;
	v11 =	vmax.f32 v10, v11  }
0xd8: {  	v10 =	vld.idx.msk [tilespmem:v4+s19+$0x10 ss:$0x1], $0xffff;
	v11 =	vmax.f32 v11, v12  }
0xd9: {  	v12 =	vmax.f32 v11, v14;
	v11 =	vld.idx.msk [tilespmem:v4+s19+$0x20 ss:$0x1], $0xffff  }
0xda: {  	v13 =	vmax.f32 v12, v13;
	v12 =	vld.idx.msk [tilespmem:v4+s19+$0x30 ss:$0x1], $0xffff;
	s19 =	sshra.s32 s20, $0x2;
	s20 =	sadd.s32 $0x1000, s20  }
0xdb: {  	_ =	sdelay $0x2  }
0xdc: {  	v9 =	vmax.f32 v13, v9  }
0xdd: {  	v13 =	vld.idx.msk [tilespmem:v4+s19+$0xFFFFFFC0 ss:$0x1], $0xffff;
	v8 =	vmax.f32 v9, v8  }
0xde: {  	v9 =	vld.idx.msk [tilespmem:v4+s19+$0xFFFFFFD0 ss:$0x1], $0xffff;
	v5 =	vmax.f32 v8, v5  }
0xdf: {  	v8 =	vld.idx.msk [tilespmem:v4+s19+$0xFFFFFFE0 ss:$0x1], $0xffff;
	v5 =	vmax.f32 v5, v10  }
0xe0: {  	v10 =	vld.idx.msk [tilespmem:v4+s19+$0xFFFFFFF0 ss:$0x1], $0xffff;
	v5 =	vmax.f32 v5, v11  }
0xe1: {  	v11 =	vld.idx.msk [tilespmem:v4+s19+$0x0 ss:$0x1], $0xffff;
	v5 =	vmax.f32 v5, v12  }
0xe2: {  	v12 =	vld.idx.msk [tilespmem:v4+s19+$0x10 ss:$0x1], $0xffff;
	v5 =	vmax.f32 v5, v13  }
0xe3: {  	v13 =	vld.idx.msk [tilespmem:v4+s19+$0x20 ss:$0x1], $0xffff;
	v5 =	vmax.f32 v5, v9  }
0xe4: {  	v9 =	vld.idx.msk [tilespmem:v4+s19+$0x30 ss:$0x1], $0xffff;
	v5 =	vmax.f32 v5, v8  }
0xe5: {  	v5 =	vmax.f32 v5, v10  }
0xe6: {  	v5 =	vmax.f32 v5, v11  }
0xe7: {  	v5 =	vmax.f32 v5, v12  }
0xe8: {  	v5 =	vmax.f32 v5, v13  }
0xe9: {  	s20 =	simm.s32 $0x0;
	v5 =	vmax.f32 v5, v9  }
0xea: {  	v8 =	vld.idx.msk [tilespmem:v4+s20+$0xFFFFFFC0 ss:$0x1], $0xffff;
	v5 =	vmax.f32 v7, v5  }
0xeb: {  	v7 =	vsub.f32 v7, v5  }
0xec: {  	v9 =	vld.idx.msk [tilespmem:v4+s20+$0xFFFFFFD0 ss:$0x1], $0xffff  }
0xed: {  	v10 =	vld.idx.msk [tilespmem:v4+s20+$0xFFFFFFE0 ss:$0x1], $0xffff;
	v7 =	vmul.f32 $1.442695020e+00, v7;
	_ =	sdelay $0x1  }
0xee: {  	v8 =	vsub.f32 v8, v5;
	(erf) = vpow2.f32 v7;
	_ =	sdelay $0x1  }
0xef: {  	v8 =	vmul.f32 $1.442695020e+00, v8;
	v9 =	vsub.f32 v9, v5;
	v7 =	vld.idx.msk [tilespmem:v4+s20+$0xFFFFFFF0 ss:$0x1], $0xffff  }
0xf0: {  	v11 =	vld.idx.msk [tilespmem:v4+s20+$0x0 ss:$0x1], $0xffff;
	v10 =	vsub.f32 v10, v5  }
0xf1: {  	v9 =	vmul.f32 $1.442695020e+00, v9;
	(erf) = vpow2.f32 v8  }
0xf2: {  	v10 =	vmul.f32 $1.442695020e+00, v10  }
0xf3: {  	v8 =	vld.idx.msk [tilespmem:v4+s20+$0x10 ss:$0x1], $0xffff;
	(erf) = vpow2.f32 v9  }
0xf4: {  	v7 =	vsub.f32 v7, v5  }
0xf5: {  	v12 =	vld.idx.msk [tilespmem:v4+s20+$0x20 ss:$0x1], $0xffff;
	v9 =	vsub.f32 v11, v5;
	(erf) = vpow2.f32 v10  }
0xf6: {  	v7 =	vmul.f32 $1.442695020e+00, v7;
	v10 =	vpop (erf)  }
0xf7: {  	v9 =	vmul.f32 $1.442695020e+00, v9;
	v6 =	vmul.f32 v10, v6;
	v10 =	vld.idx.msk [tilespmem:v4+s20+$0x30 ss:$0x1], $0xffff  }
0xf8: {  	s21 =	simm.s32 $0x400;
	v8 =	vsub.f32 v8, v5;
	(erf) = vpow2.f32 v7  }
0xf9: {  	(erf) = vpow2.f32 v9;
	v9 =	vld.idx.msk [tilespmem:v4+s21+$0xFFFFFFC0 ss:$0x1], $0xffff  }
0xfa: {  	v8 =	vmul.f32 $1.442695020e+00, v8;
	v7 =	vsub.f32 v12, v5;
	v12 =	vld.idx.msk [tilespmem:v4+s21+$0xFFFFFFD0 ss:$0x1], $0xffff;
	v11 =	vpop (erf)  }
0xfb: {  	v6 =	vadd.f32 v11, v6  }
0xfc: {  	v7 =	vmul.f32 $1.442695020e+00, v7;
	(erf) = vpow2.f32 v8;
	v8 =	vld.idx.msk [tilespmem:v4+s21+$0xFFFFFFE0 ss:$0x1], $0xffff;
	v11 =	vpop (erf);
	v10 =	vsub.f32 v10, v5  }
0xfd: {  	v6 =	vadd.f32 v11, v6  }
0xfe: {  	(erf) = vpow2.f32 v7;
	v11 =	vpop (erf);
	v9 =	vsub.f32 v9, v5;
	v10 =	vmul.f32 $1.442695020e+00, v10  }
0xff: {  	v7 =	vld.idx.msk [tilespmem:v4+s21+$0xFFFFFFF0 ss:$0x1], $0xffff;
	v6 =	vadd.f32 v11, v6;
	v11 =	vsub.f32 v12, v5  }
0x100: {  	v13 =	vld.idx.msk [tilespmem:v4+s21+$0x0 ss:$0x1], $0xffff;
	v9 =	vmul.f32 $1.442695020e+00, v9;
	(erf) = vpow2.f32 v10  }
0x101: {  	v8 =	vsub.f32 v8, v5;
	v12 =	vpop (erf);
	v10 =	vmul.f32 $1.442695020e+00, v11  }
0x102: {  	v14 =	vld.idx.msk [tilespmem:v4+s21+$0x10 ss:$0x1], $0xffff;
	v6 =	vadd.f32 v12, v6;
	(erf) = vpow2.f32 v9  }
0x103: {  	v8 =	vmul.f32 $1.442695020e+00, v8;
	v12 =	vpop (erf)  }
0x104: {  	v11 =	vsub.f32 v7, v5;
	v7 =	vld.idx.msk [tilespmem:v4+s21+$0x20 ss:$0x1], $0xffff;
	v12 =	vadd.f32 v12, v6;
	(erf) = vpow2.f32 v10  }
0x105: {  	v9 =	vsub.f32 v13, v5;
	v10 =	vpop (erf)  }
0x106: {  	s19 =	simm.s32 $0x800;
	v6 =	vld.idx.msk [tilespmem:v4+s21+$0x30 ss:$0x1], $0xffff;
	v11 =	vmul.f32 $1.442695020e+00, v11;
	(erf) = vpow2.f32 v8;
	v12 =	vadd.f32 v10, v12  }
0x107: {  	s20 =	simm.s32 $0x3000;
	v8 =	vld.idx.msk [tilespmem:v4+s19+$0xFFFFFFC0 ss:$0x1], $0xffff;
	v10 =	vsub.f32 v14, v5;
	v13 =	vpop (erf)  }
.LBB2_14:
0x108: {  	p1 =	sne.s32 s20, $0xF000;
	v9 =	vmul.f32 $1.442695020e+00, v9;
	(erf) = vpow2.f32 v11;
	v11 =	vadd.f32 v13, v12  }
0x109: {  	v7 =	vsub.f32 v7, v5;
	v12 =	vld.idx.msk [tilespmem:v4+s19+$0xFFFFFFD0 ss:$0x1], $0xffff;
	v13 =	vpop (erf)  }
0x10a: {  	v10 =	vmul.f32 $1.442695020e+00, v10;
	(erf) = vpow2.f32 v9;
	v9 =	vadd.f32 v13, v11  }
0x10b: {  	v6 =	vsub.f32 v6, v5;
	v11 =	vld.idx.msk [tilespmem:v4+s19+$0xFFFFFFE0 ss:$0x1], $0xffff;
	v13 =	vpop (erf)  }
0x10c: {  	v7 =	vmul.f32 $1.442695020e+00, v7;
	v9 =	vadd.f32 v13, v9;
	(erf) = vpow2.f32 v10  }
0x10d: {  	v8 =	vsub.f32 v8, v5;
	v10 =	vld.idx.msk [tilespmem:v4+s19+$0xFFFFFFF0 ss:$0x1], $0xffff;
	v13 =	vpop (erf)  }
0x10e: {  	v6 =	vmul.f32 $1.442695020e+00, v6;
	v9 =	vadd.f32 v13, v9;
	(erf) = vpow2.f32 v7  }
0x10f: {  	v7 =	vsub.f32 v12, v5;
	v12 =	vld.idx.msk [tilespmem:v4+s19+$0x0 ss:$0x1], $0xffff;
	v13 =	vpop (erf)  }
0x110: {  	v8 =	vmul.f32 $1.442695020e+00, v8;
	v15 =	vadd.f32 v13, v9;
	(erf) = vpow2.f32 v6  }
0x111: {  	v6 =	vsub.f32 v11, v5;
	v13 =	vld.idx.msk [tilespmem:v4+s19+$0x10 ss:$0x1], $0xffff;
	v11 =	vpop (erf)  }
0x112: {  	v14 =	vmul.f32 $1.442695020e+00, v7;
	(erf) = vpow2.f32 v8;
	v8 =	vadd.f32 v11, v15  }
.Ltmp7:
0x113: {  	v10 =	vsub.f32 v10, v5;
	v7 =	vld.idx.msk [tilespmem:v4+s19+$0x20 ss:$0x1], $0xffff;
	v9 =	vpop (erf);
	(pc) =	sbr.rel @p1 .LBB2_14-.Ltmp7, $4  }
0x114: {  	v15 =	vmul.f32 $1.442695020e+00, v6;
	(erf) = vpow2.f32 v14;
	v8 =	vadd.f32 v9, v8  }
0x115: {  	v9 =	vsub.f32 v12, v5;
	v6 =	vld.idx.msk [tilespmem:v4+s19+$0x30 ss:$0x1], $0xffff;
	v12 =	vpop (erf)  }
0x116: {  	v11 =	vmul.f32 $1.442695020e+00, v10;
	s19 =	sshra.s32 s20, $0x2;
	(erf) = vpow2.f32 v15;
	v12 =	vadd.f32 v12, v8  }
0x117: {  	s20 =	sadd.s32 $0x1000, s20;
	v10 =	vsub.f32 v13, v5;
	v8 =	vld.idx.msk [tilespmem:v4+s19+$0xFFFFFFC0 ss:$0x1], $0xffff;
	v13 =	vpop (erf)  }
0x118: {  	v14 =	vld [tilespmem:s12+$0x1C000];
	_ =	sdelay $0x4  }
0x119: {  	(v2sf) =	vpush v14, $0x0;
	_ =	sdelay $0x3  }
0x11a: {  	v9 =	vmul.f32 $1.442695020e+00, v9;
	(erf) = vpow2.f32 v11;
	v26 =	vadd.f32 v13, v12  }
0x11b: {  	v7 =	vsub.f32 v7, v5;
	v27 =	vpop (erf)  }
0x11c: {  	v28 =	vld.idx.msk [tilespmem:v4+s19+$0xFFFFFFD0 ss:$0x1], $0xffff;
	v10 =	vmul.f32 $1.442695020e+00, v10;
	(erf) = vpow2.f32 v9;
	v29 =	vadd.f32 v27, v26  }
0x11d: {  	v6 =	vsub.f32 v6, v5;
	v30 =	vpop (erf)  }
0x11e: {  	v31 =	vld.idx.msk [tilespmem:v4+s19+$0xFFFFFFE0 ss:$0x1], $0xffff;
	v7 =	vmul.f32 $1.442695020e+00, v7;
	(erf) = vpow2.f32 v10;
	v9 =	vadd.f32 v30, v29  }
0x11f: {  	v8 =	vsub.f32 v8, v5;
	v32 =	vpop (erf)  }
0x120: {  	v33 =	vld.idx.msk [tilespmem:v4+s19+$0xFFFFFFF0 ss:$0x1], $0xffff;
	v6 =	vmul.f32 $1.442695020e+00, v6;
	(erf) = vpow2.f32 v7;
	v9 =	vadd.f32 v32, v9  }
0x121: {  	v34 =	vsub.f32 v28, v5;
	v35 =	vpop (erf)  }
0x122: {  	v36 =	vld.idx.msk [tilespmem:v4+s19+$0x0 ss:$0x1], $0xffff;
	v8 =	vmul.f32 $1.442695020e+00, v8;
	(erf) = vpow2.f32 v6;
	v9 =	vadd.f32 v35, v9  }
0x123: {  	v37 =	vsub.f32 v31, v5;
	v38 =	vpop (erf)  }
0x124: {  	v39 =	vld.idx.msk [tilespmem:v4+s19+$0x10 ss:$0x1], $0xffff;
	v7 =	vmul.f32 $1.442695020e+00, v34;
	(erf) = vpow2.f32 v8;
	v40 =	vadd.f32 v38, v9  }
0x125: {  	v41 =	vsub.f32 v33, v5;
	v42 =	vpop (erf);
	s20 =	spop (v2sf)  }
0x126: {  	v43 =	vld.idx.msk [tilespmem:v4+s19+$0x20 ss:$0x1], $0xffff;
	v6 =	vmul.f32 $1.442695020e+00, v37;
	(erf) = vpow2.f32 v7;
	v44 =	vadd.f32 v42, v40;
	s12 =	ssub.s32 s20, s26  }
0x127: {  	v45 =	vsub.f32 v36, v5;
	v46 =	vpop (erf);
	s12 =	sadd.s32 $0xFFFEE000, s12  }
0x128: {  	v47 =	vld.idx.msk [tilespmem:v4+s19+$0x30 ss:$0x1], $0xffff;
	v9 =	vmul.f32 $1.442695020e+00, v41;
	(erf) = vpow2.f32 v6;
	v48 =	vadd.f32 v46, v44;
	p1 =	sgt.s32 s12, $0x0;
	s19 =	smov.u32 s12  }
0x129: {  	v49 =	vsub.f32 v39, v5;
	v50 =	vpop (erf);
	s19 =	simm.s32 @!p1 $0x0  }
0x12a: {  	v8 =	vmul.f32 $1.442695020e+00, v45;
	(erf) = vpow2.f32 v9;
	v6 =	vadd.f32 v50, v48;
	s20 =	sand.u32 $0xF, s19  }
0x12b: {  	v51 =	vsub.f32 v43, v5;
	v52 =	vpop (erf);
	p6 =	slt.s32 s12, $0x1;
	p2 =	sne.s32 s20, $0x0  }
0x12c: {  	v7 =	vmul.f32 $1.442695020e+00, v49;
	(erf) = vpow2.f32 v8;
	v6 =	vadd.f32 v52, v6;
	p1 =	por !p6, !p2  }
0x12d: {  	v4 =	vsub.f32 v47, v5;
	v53 =	vpop (erf);
	s20 =	simm.s32 $0xFFFFFFFF;
	p1 =	por !p1, !p1  }
0x12e: {  	v54 =	vmul.f32 $1.442695020e+00, v51;
	(erf) = vpow2.f32 v7;
	v6 =	vadd.f32 v53, v6;
	s20 =	simm.s32 @!p1 $0x0  }
0x12f: {  	v55 =	vpop (erf);
	s20 =	sshll.u32 s20, $0x4  }
0x130: {  	v4 =	vmul.f32 $1.442695020e+00, v4;
	(erf) = vpow2.f32 v54;
	v6 =	vadd.f32 v55, v6;
	s19 =	sadd.s32 s19, s20  }
0x131: {  	v56 =	vpop (erf);
	s19 =	sand.u32 $0xFFFFFFF0, s19  }
0x132: {  	(erf) = vpow2.f32 v4;
	v6 =	vadd.f32 v56, v6;
	p1 =	slt.s32 s19, $0x7F0  }
0x133: {  	v57 =	vpop (erf);
	s19 =	simm.s32 @!p1 $0x7F0  }
0x134: {  	v4 =	vadd.f32 v57, v6;
	s21 =	sshll.u32 s19, $0x3  }
0x135: {  	v58 =	vpop (erf);
	s20 =	sand.u32 $0xFFFFFC00, s21  }
0x136: {  	v4 =	vadd.f32 v58, v4;
	s0 =	sadd.s32 s20, s0  }
0x137: {  	v59 =	vpop (erf);
	s21 =	sand.u32 $0x70, s19;
	s0 =	sadd.s32 s1, s0  }
0x138: {  	v4 =	vadd.f32 v59, v4;
	s0 =	sadd.s32 s21, s0  }
0x139: {  	s30 =	sadd.s32 $0x1, s30;
	v60 =	vpop (erf);
	p1 =	slt.u32 s12, $0x800;
	v61 =	vld [tilespmem:s0+$0x0];
	s0 =	ssub.s32 s12, s19  }
0x13a: {  	v4 =	vadd.f32 v60, v4;
	s0 =	simm.s32 @!p1 $0xFFFFFFFF;
	p1 =	sne.s32 s30, $0x10  }
.Ltmp8:
0x13b: {  	v62 =	vpop (erf);
	(pc) =	sbr.rel @p1 .LBB2_11-.Ltmp8, $4  }
0x13c: {  	v4 =	vadd.f32 v62, v4;
	v63 =	vmov s0  }
0x13d: {  	[tilespmem:s31+$0x10000] =	vst v5;
	vm0 =	veq.s32 v63, v2  }
0x13e: {  	[tilespmem:s31+$0x14000] =	vst v4;
	v3 =	vsel vm0, v61, v3  }
0x13f: {  	s29 =	sadd.s32 $0x800, s29;
	s28 =	sadd.s32 $0x1, s28;
	[tilespmem:s31+$0x18000] =	vst v3  }
.Ltmp9:
0x140: {  	(pc) =	sbr.rel @p0 .LBB2_18-.Ltmp9, $1  }
0x141: {  	_ =	sdelay $0x3  }
0x142: {  	s0 =	sadd.s32 $0x3, s24  }
0x143: {  	s1 =	smulhi.u32 $0x2AAAAAAB, s0;
	_ =	sdelay $0x1  }
0x144: {  	s1 =	sshrl.u32 s1, $0x1  }
0x145: {  	s12 =	sshll.u32 s1, $0x4  }
0x146: {  	s1 =	smul.u32 $0xC, s1;
	s12 =	sadd.s32 s3, s12  }
0x147: {  	s12 =	sshrl.u32 s12, $0x3  }
0x148: {  	s0 =	ssub.s32 s0, s1;
	s12 =	smul.u32 $0x30000, s12  }
.Ltmp10:
0x149: {  	s0 =	sshll.u32 s0, $0xE;
	(pc) =	sbr.rel .LBB2_4-.Ltmp10, $4  }
0x14a: {  	s0 =	sadd.s32 s0, s12  }
0x14b: {  	s0 =	sshrl.u32 s0, $0x3  }
0x14c: {  	s23 =	sadd.s32 $0x1, s23;
	s0 =	sadd.s32 s4, s0  }
0x14d: {  	[tilespmem:s16], [sflag:$0x2] =	stream.strided.gather [hbm4b:s0+s14], $0x8000, s15, s14, $0x38;
	[tilespmem:$0x1C100] =	vst v63  }
.LBB2_19:
0x14e: {  	_ =	sfence.sel $0x180000  }
0x14f: {  	[bflag:$0x0] =	sbarrier.arrive $0xFFFF  }
0x150: {  	_ =	strace $0x90000047  }
0x151: {  	s0 =	stileid.u32;
	[bflag:$0x2] =	sbarrier.arrive $0xFFFF  }
0x152: {  	p0 =	sne.s32 s0, $0x0;
	s0 =	rddreg [dreg:$0x2]  }
0x153: {  	s0 =	sadd.s32 @!p0 $0x100000, s0  }
0x154: {  	[sflag:s0] =	ssyncadd.tile.s32 @!p0 $0x1;
	_ =	shalt  }
.Lfunc_end2:
_tile_overlayer_lowered:
.L_overlay_start_2:
0x155: {  	(tag) =	ssettag $0x2  }
0x156: {  	s0 =	rddreg [dreg:$0x0];
	s2 =	stileid.u32  }
0x157: {  	s1 =	rddreg [dreg:$0x1];
	p0 =	sne.s32 s2, $0x0  }
0x158: {  	s3 =	rddreg [dreg:$0x2];
	[bflag:$0x3] =	sbarrier.arrive $0xFFFF;
	s2 =	simm.s32 @!p0 $0x1C03  }
0x159: {  	[timem:s3], [sflag:s2] =	dma.local @!p0 [hbm:s0], s1  }
0x15a: {  	s0 =	simm.s32 @!p0 $0x3  }
0x15b: {  	_ =	swait.ge @!p0 [sflag:s0], s1  }
0x15c: {  	s1 =	ssub.s32 @!p0 $0x0, s1;
	[sflag:s0] =	ssyncset.done @!p0 $0x0  }
0x15d: {  	[sflag:s0] =	ssyncadd.s32 @!p0 s1  }
0x15e: {  	[bflag:$0x3] =	sbarrier.arrive $0xFFFF  }
0x15f: {  	_ =	shalt  }

</sc_bundles>
